<compile_context>
chip_gen: v7x
topology: tpu7x:2x2x1
jax: 0.10.2.dev20260603
libtpu: 0.0.44.dev20260713+nightly
codegen_flags: <defaults>
</compile_context>

<pallas_src>
import functools

import jax
import jax.numpy as jnp
from jax import lax
from jax.experimental import pallas as pl
from jax.experimental.pallas import tpu as pltpu
from jax.experimental.pallas import tpu_sc as plsc

V = 1000000
DIM = 32
B_TOTAL = 4096 * 200


CBLK = 4608
NSTEP = 217
RBLK = CBLK // 4
V_MAIN = NSTEP * CBLK
TROWS = V_MAIN // 4 + 32


def _fmt_body(wt_hbm, tail_hbm, out_hbm, xin, yv, isem, osem, tsem):
    i = pl.program_id(0)
    b = lax.rem(i, 2)
    nb = lax.rem(i + 1, 2)

    def in_cp(step, buf):
        return pltpu.make_async_copy(
            wt_hbm.at[:, pl.ds(step * CBLK, CBLK)], xin.at[buf], isem.at[buf]
        )

    def out_cp(step, buf):
        return pltpu.make_async_copy(
            yv.at[buf],
            out_hbm.at[pl.ds(step * RBLK, RBLK)],
            osem.at[buf],
        )

    @pl.when(i == 0)
    def _():
        in_cp(0, 0).start()

    @pl.when(i + 1 < NSTEP)
    def _():
        in_cp(i + 1, nb).start()

    in_cp(i, b).wait()

    @pl.when(i >= 2)
    def _():
        out_cp(i - 2, b).wait()

    x = xin[b]
    for k in range(4):
        yv[b, :, k * DIM:(k + 1) * DIM] = lax.transpose(
            x[:, k * RBLK:(k + 1) * RBLK], (1, 0)
        )
    out_cp(i, b).start()

    @pl.when(i == NSTEP - 1)
    def _():
        pltpu.make_async_copy(
            tail_hbm, out_hbm.at[pl.ds(NSTEP * RBLK, 16)], tsem
        ).start()
        out_cp(NSTEP - 2, nb).wait()
        out_cp(NSTEP - 1, b).wait()
        pltpu.make_async_copy(
            tail_hbm, out_hbm.at[pl.ds(NSTEP * RBLK, 16)], tsem
        ).wait()


_fmt = pl.pallas_call(
    _fmt_body,
    grid=(NSTEP,),
    in_specs=[
        pl.BlockSpec(memory_space=pl.ANY),
        pl.BlockSpec(memory_space=pl.ANY),
    ],
    out_specs=pl.BlockSpec(memory_space=pl.ANY),
    out_shape=jax.ShapeDtypeStruct((TROWS, 128), jnp.float32),
    scratch_shapes=[
        pltpu.VMEM((2, DIM, CBLK), jnp.float32),
        pltpu.VMEM((2, RBLK, 128), jnp.float32),
        pltpu.SemaphoreType.DMA((2,)),
        pltpu.SemaphoreType.DMA((2,)),
        pltpu.SemaphoreType.DMA,
    ],
)


NC, NS = 2, 16
NW = NC * NS
B_PER_W = B_TOTAL // NW
CHUNK = 1600
N_CHUNKS = B_PER_W // CHUNK
N_VREG = B_PER_W // 16

_mesh = plsc.VectorSubcoreMesh(core_axis_name="c", subcore_axis_name="s")


@functools.partial(
    pl.kernel,
    mesh=_mesh,
    out_type=jax.ShapeDtypeStruct((B_TOTAL, DIM), jnp.float32),
    scratch_types=[
        pltpu.VMEM((B_PER_W,), jnp.int32),
        pltpu.VMEM((2, CHUNK, DIM), jnp.float32),
        pltpu.SemaphoreType.DMA((2,)),
        pltpu.SemaphoreType.DMA((2,)),
    ],
    compiler_params=pltpu.CompilerParams(use_tc_tiling_on_sc=False),
)
def _emb_lookup(idx_hbm, table_hbm, out_hbm, idx_v, rows_v, gsem, osem):
    wid = lax.axis_index("s") * NC + lax.axis_index("c")
    base = wid * B_PER_W

    pltpu.sync_copy(idx_hbm.at[pl.ds(base, B_PER_W)], idx_v)

    def remap(v, _):
        ids = idx_v[pl.ds(v * 16, 16)]
        blk = ((ids >> 9) * 7282) >> 16
        m = ids - blk * CBLK
        k = ((m >> 7) * 7282) >> 16
        p = m - k * RBLK
        g = (blk * RBLK + p) * 4 + k
        idx_v[pl.ds(v * 16, 16)] = jnp.where(ids >= V_MAIN, ids, g)
        return _

    lax.fori_loop(0, N_VREG, remap, 0)

    def gat_cp(i):
        return pltpu.make_async_copy(
            table_hbm.at[idx_v.at[pl.ds(i * CHUNK, CHUNK)]],
            rows_v.at[i % 2],
            gsem.at[i % 2],
        )

    def out_cp(i):
        return pltpu.make_async_copy(
            rows_v.at[i % 2],
            out_hbm.at[pl.ds(base + i * CHUNK, CHUNK)],
            osem.at[i % 2],
        )

    gat_cp(0).start()
    for i in range(N_CHUNKS):
        gat_cp(i).wait()
        if i + 1 < N_CHUNKS:
            if i >= 1:
                out_cp(i - 1).wait()
            gat_cp(i + 1).start()
        out_cp(i).start()

    out_cp(N_CHUNKS - 2).wait()
    out_cp(N_CHUNKS - 1).wait()


def kernel(input, weight):
    idx = input.reshape(-1).astype(jnp.int32)
    tail = lax.slice(weight, (V_MAIN, 0), (V, DIM)).reshape(16, 128)
    table = _fmt(weight.T, tail).reshape(4 * TROWS, DIM)
    out = _emb_lookup(idx, table)
    return out.reshape(input.shape + (DIM,))

# --- scband reference (transcript-rebuilt; emitter-appended) ---
"""Pipeline reference for scband-custom-embedding-46746424050247 (READ-ONLY COPY).

The authoritative reference and input builder live on the scoring server;
editing this copy changes nothing except your own understanding.
"""

import jax, jax.numpy as jnp
import numpy as np

NUM_EMBEDDINGS = 1000000
EMBEDDING_DIM = 32


def setup_inputs(seed: int = 0) -> dict:
    key = jax.random.key(seed)
    k_idx, k_w = jax.random.split(key)
    input_ids = jax.random.randint(k_idx, (4096, 200), 0, NUM_EMBEDDINGS, dtype=jnp.int64 if jax.config.jax_enable_x64 else jnp.int32)
    weight = jax.random.normal(k_w, (NUM_EMBEDDINGS, EMBEDDING_DIM), dtype=jnp.float32) * 0.02
    return {"input": input_ids, "weight": weight}


def reference(input, weight):
    # CustomEmbedding.forward: plain embedding lookup (grad hook only affects backward)
    return jnp.take(weight, input, axis=0)

if __name__ == "__main__":
    import jax
    _d = setup_inputs()
    print(jax.jit(kernel)(*tuple(_d.values())))

</pallas_src>

<mosaic_0001>
#map = affine_map<(d0, d1) -> (0)>
#map1 = affine_map<(d0, d1) -> (0, 0)>
module attributes {stable_mosaic.version = 14 : i64} {
  func.func @_emb_lookup(%arg0: i32, %arg1: i32, %arg2: memref<819200xi32, #tpu.memory_space<hbm>>, %arg3: memref<1000064x32xf32, #tpu.memory_space<hbm>>, %arg4: memref<819200x32xf32, #tpu.memory_space<hbm>>, %arg5: memref<25600xi32, #tpu.memory_space<vmem>>, %arg6: memref<2x1600x32xf32, #tpu.memory_space<vmem>>, %arg7: memref<2x!tpu.dma_semaphore, #tpu.memory_space<semaphore_mem>>, %arg8: memref<2x!tpu.dma_semaphore, #tpu.memory_space<semaphore_mem>>) attributes {dimension_semantics = [#tpu.dimension_semantics<core_parallel>, #tpu.dimension_semantics<subcore_parallel>], iteration_bounds = array<i64: 2, 16>, scalar_prefetch = 0 : i64, scratch_operands = 4 : i64, tpu.core_type = #tpu.core_type<sc_vector_subcore>, window_params = [{transform_indices = #map}, {transform_indices = #map1}, {transform_indices = #map1}]} {
    %mul3A = arith.constant 2 : i32
    %mul3A_0 = arith.muli %arg1, %mul3A : i32
    %add3A = arith.addi %mul3A_0, %arg0 : i32
    %mul3A_1 = arith.constant 25600 : i32
    %mul3A_2 = arith.muli %add3A, %mul3A_1 : i32
    "tpu.region"() ({
      %run_scoped3A = tpu.sem_alloc : memref<!tpu.dma_semaphore, #tpu.memory_space<semaphore_mem>>
      %dma_start3A_998 = tpu.memref_slice %arg2[%mul3A_2] : memref<819200xi32, #tpu.memory_space<hbm>> -> memref<25600xi32, #tpu.memory_space<hbm>>
      %dma_start3A_999 = tpu.memref_slice %arg2[%mul3A_2] : memref<819200xi32, #tpu.memory_space<hbm>> -> memref<25600xi32, #tpu.memory_space<hbm>>
      tpu.enqueue_dma source(%dma_start3A_999 : memref<25600xi32, #tpu.memory_space<hbm>>) target(%arg5 : memref<25600xi32, #tpu.memory_space<vmem>>) target_semaphore(%run_scoped3A : memref<!tpu.dma_semaphore, #tpu.memory_space<semaphore_mem>>)
      %dma_wait3A_1000 = tpu.memref_slice %arg2[%mul3A_2] : memref<819200xi32, #tpu.memory_space<hbm>> -> memref<25600xi32, #tpu.memory_space<hbm>>
      %dma_wait3A_1001 = tpu.memref_slice %arg2[%mul3A_2] : memref<819200xi32, #tpu.memory_space<hbm>> -> memref<25600xi32, #tpu.memory_space<hbm>>
      tpu.wait_dma2 semaphore(%run_scoped3A : memref<!tpu.dma_semaphore, #tpu.memory_space<semaphore_mem>>) src(%dma_wait3A_1001 : memref<25600xi32, #tpu.memory_space<hbm>>) dst(%arg5 : memref<25600xi32, #tpu.memory_space<vmem>>)
      tpu.yield
    }) : () -> ()
    %scan3A = arith.constant 0 : i32
    %scan3A_3 = arith.constant 0 : i32
    %scan3A_4 = arith.constant 1600 : i32
    %scan3A_5 = arith.addi %scan3A_3, %scan3A_4 : i32
    %scan3A_6 = arith.constant 1 : i32
    scf.for %scan3A_998 = %scan3A_3 to %scan3A_5 step %scan3A_6  : i32 {
      %mul3A_999 = arith.constant 16 : i32
      %mul3A_1000 = arith.muli %scan3A_998, %mul3A_999 : i32
      %get3A = arith.index_cast %mul3A_1000 : i32 to index
      %get3A_1001 = tpu.vector_load %arg5[%get3A] {strides = array<i32>} : memref<25600xi32, #tpu.memory_space<vmem>>, vector<16xi32>,
      %get3A_1002 = vector.shape_cast %get3A_1001 : vector<16xi32> to vector<16xi32>
      %shift_right_arithmetic3A = arith.constant 9 : i32
      %shift_right_arithmetic3A_1003 = vector.broadcast %shift_right_arithmetic3A : i32 to vector<16xi32>
      %shift_right_arithmetic3A_1004 = arith.shrsi %get3A_1002, %shift_right_arithmetic3A_1003 : vector<16xi32>
      %mul3A_1005 = arith.constant 7282 : i32
      %mul3A_1006 = vector.broadcast %mul3A_1005 : i32 to vector<16xi32>
      %mul3A_1007 = arith.muli %shift_right_arithmetic3A_1004, %mul3A_1006 : vector<16xi32>
      %shift_right_arithmetic3A_1008 = arith.constant 16 : i32
      %shift_right_arithmetic3A_1009 = vector.broadcast %shift_right_arithmetic3A_1008 : i32 to vector<16xi32>
      %shift_right_arithmetic3A_1010 = arith.shrsi %mul3A_1007, %shift_right_arithmetic3A_1009 : vector<16xi32>
      %mul3A_1011 = arith.constant 4608 : i32
      %mul3A_1012 = vector.broadcast %mul3A_1011 : i32 to vector<16xi32>
      %mul3A_1013 = arith.muli %shift_right_arithmetic3A_1010, %mul3A_1012 : vector<16xi32>
      %sub3A = arith.subi %get3A_1002, %mul3A_1013 : vector<16xi32>
      %shift_right_arithmetic3A_1014 = arith.constant 7 : i32
      %shift_right_arithmetic3A_1015 = vector.broadcast %shift_right_arithmetic3A_1014 : i32 to vector<16xi32>
      %shift_right_arithmetic3A_1016 = arith.shrsi %sub3A, %shift_right_arithmetic3A_1015 : vector<16xi32>
      %mul3A_1017 = arith.constant 7282 : i32
      %mul3A_1018 = vector.broadcast %mul3A_1017 : i32 to vector<16xi32>
      %mul3A_1019 = arith.muli %shift_right_arithmetic3A_1016, %mul3A_1018 : vector<16xi32>
      %shift_right_arithmetic3A_1020 = arith.constant 16 : i32
      %shift_right_arithmetic3A_1021 = vector.broadcast %shift_right_arithmetic3A_1020 : i32 to vector<16xi32>
      %shift_right_arithmetic3A_1022 = arith.shrsi %mul3A_1019, %shift_right_arithmetic3A_1021 : vector<16xi32>
      %mul3A_1023 = arith.constant 1152 : i32
      %mul3A_1024 = vector.broadcast %mul3A_1023 : i32 to vector<16xi32>
      %mul3A_1025 = arith.muli %shift_right_arithmetic3A_1022, %mul3A_1024 : vector<16xi32>
      %sub3A_1026 = arith.subi %sub3A, %mul3A_1025 : vector<16xi32>
      %mul3A_1027 = arith.constant 1152 : i32
      %mul3A_1028 = vector.broadcast %mul3A_1027 : i32 to vector<16xi32>
      %mul3A_1029 = arith.muli %shift_right_arithmetic3A_1010, %mul3A_1028 : vector<16xi32>
      %add3A_1030 = arith.addi %mul3A_1029, %sub3A_1026 : vector<16xi32>
      %mul3A_1031 = arith.constant 4 : i32
      %mul3A_1032 = vector.broadcast %mul3A_1031 : i32 to vector<16xi32>
      %mul3A_1033 = arith.muli %add3A_1030, %mul3A_1032 : vector<16xi32>
      %add3A_1034 = arith.addi %mul3A_1033, %shift_right_arithmetic3A_1022 : vector<16xi32>
      %ge3A = arith.constant 999936 : i32
      %ge3A_1035 = vector.broadcast %ge3A : i32 to vector<16xi32>
      %ge3A_1036 = arith.cmpi sge, %get3A_1002, %ge3A_1035 : vector<16xi32>
      %select_n3A = arith.select %ge3A_1036, %get3A_1002, %add3A_1034 : vector<16xi1>, vector<16xi32>
      %mul3A_1037 = arith.constant 16 : i32
      %mul3A_1038 = arith.muli %scan3A_998, %mul3A_1037 : i32
      %swap3A = arith.index_cast %mul3A_1038 : i32 to index
      %swap3A_1039 = tpu.vector_load %arg5[%swap3A] {strides = array<i32>} : memref<25600xi32, #tpu.memory_space<vmem>>, vector<16xi32>,
      %swap3A_1040 = vector.shape_cast %swap3A_1039 : vector<16xi32> to vector<16xi32>
      %swap3A_1041 = vector.shape_cast %select_n3A : vector<16xi32> to vector<16xi32>
      tpu.vector_store %arg5[%swap3A], %swap3A_1041 {strides = array<i32>} : memref<25600xi32, #tpu.memory_space<vmem>>, vector<16xi32>,
    }
    %scan3A_7 = arith.constant 1600 : i32
    %dma_start3A = arith.constant 0 : i32
    %dma_start3A_8 = arith.constant 0 : i32
    %dma_start3A_9 = arith.constant 0 : i32
    %dma_start3A_10 = arith.constant 0 : i32
    %dma_start3A_11 = tpu.memref_slice %arg6[%dma_start3A, %dma_start3A_9, %dma_start3A_10] : memref<2x1600x32xf32, #tpu.memory_space<vmem>> -> memref<1x1600x32xf32, #tpu.memory_space<vmem>>
    %dma_start3A_12 = tpu.memref_squeeze %dma_start3A_11 : memref<1x1600x32xf32, #tpu.memory_space<vmem>> -> memref<1600x32xf32, #tpu.memory_space<vmem>>
    %dma_start3A_13 = arith.constant 0 : i32
    %dma_start3A_14 = tpu.memref_slice %arg5[%dma_start3A_13] : memref<25600xi32, #tpu.memory_space<vmem>> -> memref<1600xi32, #tpu.memory_space<vmem>>
    %dma_start3A_15 = arith.constant 0 : i32
    %dma_start3A_16 = arith.constant 0 : i32
    %dma_start3A_17 = tpu.memref_slice %arg3[%dma_start3A_15, %dma_start3A_16] : memref<1000064x32xf32, #tpu.memory_space<hbm>> -> memref<1000064x32xf32, #tpu.memory_space<hbm>>
    %dma_start3A_18 = tpu.memref_slice %arg7[%dma_start3A_8] : memref<2x!tpu.dma_semaphore, #tpu.memory_space<semaphore_mem>> -> memref<1x!tpu.dma_semaphore, #tpu.memory_space<semaphore_mem>>
    %dma_start3A_19 = tpu.memref_squeeze %dma_start3A_18 : memref<1x!tpu.dma_semaphore, #tpu.memory_space<semaphore_mem>> -> memref<!tpu.dma_semaphore, #tpu.memory_space<semaphore_mem>>
    tpu.enqueue_indirect_dma source(%dma_start3A_17 : memref<1000064x32xf32, #tpu.memory_space<hbm>>) target(%dma_start3A_12 : memref<1600x32xf32, #tpu.memory_space<vmem>>) offsets(%dma_start3A_14 : memref<1600xi32, #tpu.memory_space<vmem>>) semaphore(%dma_start3A_19 : memref<!tpu.dma_semaphore, #tpu.memory_space<semaphore_mem>>)
    %dma_wait3A = arith.constant 0 : i32
    %dma_wait3A_20 = arith.constant 0 : i32
    %dma_wait3A_21 = arith.constant 0 : i32
    %dma_wait3A_22 = arith.constant 0 : i32
    %dma_wait3A_23 = tpu.memref_slice %arg6[%dma_wait3A, %dma_wait3A_21, %dma_wait3A_22] : memref<2x1600x32xf32, #tpu.memory_space<vmem>> -> memref<1x1600x32xf32, #tpu.memory_space<vmem>>
    %dma_wait3A_24 = tpu.memref_squeeze %dma_wait3A_23 : memref<1x1600x32xf32, #tpu.memory_space<vmem>> -> memref<1600x32xf32, #tpu.memory_space<vmem>>
    %dma_wait3A_25 = arith.constant 0 : i32
    %dma_wait3A_26 = tpu.memref_slice %arg5[%dma_wait3A_25] : memref<25600xi32, #tpu.memory_space<vmem>> -> memref<1600xi32, #tpu.memory_space<vmem>>
    %dma_wait3A_27 = arith.constant 0 : i32
    %dma_wait3A_28 = arith.constant 0 : i32
    %dma_wait3A_29 = tpu.memref_slice %arg3[%dma_wait3A_27, %dma_wait3A_28] : memref<1000064x32xf32, #tpu.memory_space<hbm>> -> memref<1000064x32xf32, #tpu.memory_space<hbm>>
    %dma_wait3A_30 = tpu.memref_slice %arg7[%dma_wait3A_20] : memref<2x!tpu.dma_semaphore, #tpu.memory_space<semaphore_mem>> -> memref<1x!tpu.dma_semaphore, #tpu.memory_space<semaphore_mem>>
    %dma_wait3A_31 = tpu.memref_squeeze %dma_wait3A_30 : memref<1x!tpu.dma_semaphore, #tpu.memory_space<semaphore_mem>> -> memref<!tpu.dma_semaphore, #tpu.memory_space<semaphore_mem>>
    tpu.wait_indirect_dma semaphore(%dma_wait3A_31 : memref<!tpu.dma_semaphore, #tpu.memory_space<semaphore_mem>>) src(%dma_wait3A_29 : memref<1000064x32xf32, #tpu.memory_space<hbm>>) dst(%dma_wait3A_24 : memref<1600x32xf32, #tpu.memory_space<vmem>>)
    %dma_start3A_32 = arith.constant 1 : i32
    %dma_start3A_33 = arith.constant 1 : i32
    %dma_start3A_34 = arith.constant 0 : i32
    %dma_start3A_35 = arith.constant 0 : i32
    %dma_start3A_36 = tpu.memref_slice %arg6[%dma_start3A_32, %dma_start3A_34, %dma_start3A_35] : memref<2x1600x32xf32, #tpu.memory_space<vmem>> -> memref<1x1600x32xf32, #tpu.memory_space<vmem>>
    %dma_start3A_37 = tpu.memref_squeeze %dma_start3A_36 : memref<1x1600x32xf32, #tpu.memory_space<vmem>> -> memref<1600x32xf32, #tpu.memory_space<vmem>>
    %dma_start3A_38 = arith.constant 1600 : i32
    %dma_start3A_39 = tpu.memref_slice %arg5[%dma_start3A_38] : memref<25600xi32, #tpu.memory_space<vmem>> -> memref<1600xi32, #tpu.memory_space<vmem>>
    %dma_start3A_40 = arith.constant 0 : i32
    %dma_start3A_41 = arith.constant 0 : i32
    %dma_start3A_42 = tpu.memref_slice %arg3[%dma_start3A_40, %dma_start3A_41] : memref<1000064x32xf32, #tpu.memory_space<hbm>> -> memref<1000064x32xf32, #tpu.memory_space<hbm>>
    %dma_start3A_43 = tpu.memref_slice %arg7[%dma_start3A_33] : memref<2x!tpu.dma_semaphore, #tpu.memory_space<semaphore_mem>> -> memref<1x!tpu.dma_semaphore, #tpu.memory_space<semaphore_mem>>
    %dma_start3A_44 = tpu.memref_squeeze %dma_start3A_43 : memref<1x!tpu.dma_semaphore, #tpu.memory_space<semaphore_mem>> -> memref<!tpu.dma_semaphore, #tpu.memory_space<semaphore_mem>>
    tpu.enqueue_indirect_dma source(%dma_start3A_42 : memref<1000064x32xf32, #tpu.memory_space<hbm>>) target(%dma_start3A_37 : memref<1600x32xf32, #tpu.memory_space<vmem>>) offsets(%dma_start3A_39 : memref<1600xi32, #tpu.memory_space<vmem>>) semaphore(%dma_start3A_44 : memref<!tpu.dma_semaphore, #tpu.memory_space<semaphore_mem>>)
    %add3A_45 = arith.constant 0 : i32
    %add3A_46 = arith.addi %mul3A_2, %add3A_45 : i32
    %dma_start3A_47 = arith.constant 0 : i32
    %dma_start3A_48 = arith.constant 0 : i32
    %dma_start3A_49 = arith.constant 0 : i32
    %dma_start3A_50 = arith.constant 0 : i32
    %dma_start3A_51 = tpu.memref_slice %arg6[%dma_start3A_47, %dma_start3A_49, %dma_start3A_50] : memref<2x1600x32xf32, #tpu.memory_space<vmem>> -> memref<1x1600x32xf32, #tpu.memory_space<vmem>>
    %dma_start3A_52 = tpu.memref_squeeze %dma_start3A_51 : memref<1x1600x32xf32, #tpu.memory_space<vmem>> -> memref<1600x32xf32, #tpu.memory_space<vmem>>
    %dma_start3A_53 = arith.constant 0 : i32
    %dma_start3A_54 = tpu.memref_slice %arg4[%add3A_46, %dma_start3A_53] : memref<819200x32xf32, #tpu.memory_space<hbm>> -> memref<1600x32xf32, #tpu.memory_space<hbm>>
    %dma_start3A_55 = tpu.memref_slice %arg8[%dma_start3A_48] : memref<2x!tpu.dma_semaphore, #tpu.memory_space<semaphore_mem>> -> memref<1x!tpu.dma_semaphore, #tpu.memory_space<semaphore_mem>>
    %dma_start3A_56 = tpu.memref_squeeze %dma_start3A_55 : memref<1x!tpu.dma_semaphore, #tpu.memory_space<semaphore_mem>> -> memref<!tpu.dma_semaphore, #tpu.memory_space<semaphore_mem>>
    %dma_start3A_57 = arith.constant 0 : i32
    %dma_start3A_58 = tpu.memref_slice %arg4[%add3A_46, %dma_start3A_57] : memref<819200x32xf32, #tpu.memory_space<hbm>> -> memref<1600x32xf32, #tpu.memory_space<hbm>>
    %dma_start3A_59 = arith.constant 0 : i32
    %dma_start3A_60 = arith.constant 0 : i32
    %dma_start3A_61 = tpu.memref_slice %arg6[%dma_start3A_47, %dma_start3A_59, %dma_start3A_60] : memref<2x1600x32xf32, #tpu.memory_space<vmem>> -> memref<1x1600x32xf32, #tpu.memory_space<vmem>>
    %dma_start3A_62 = tpu.memref_squeeze %dma_start3A_61 : memref<1x1600x32xf32, #tpu.memory_space<vmem>> -> memref<1600x32xf32, #tpu.memory_space<vmem>>
    tpu.enqueue_dma source(%dma_start3A_62 : memref<1600x32xf32, #tpu.memory_space<vmem>>) target(%dma_start3A_58 : memref<1600x32xf32, #tpu.memory_space<hbm>>) target_semaphore(%dma_start3A_56 : memref<!tpu.dma_semaphore, #tpu.memory_space<semaphore_mem>>)
    %dma_wait3A_63 = arith.constant 1 : i32
    %dma_wait3A_64 = arith.constant 1 : i32
    %dma_wait3A_65 = arith.constant 0 : i32
    %dma_wait3A_66 = arith.constant 0 : i32
    %dma_wait3A_67 = tpu.memref_slice %arg6[%dma_wait3A_63, %dma_wait3A_65, %dma_wait3A_66] : memref<2x1600x32xf32, #tpu.memory_space<vmem>> -> memref<1x1600x32xf32, #tpu.memory_space<vmem>>
    %dma_wait3A_68 = tpu.memref_squeeze %dma_wait3A_67 : memref<1x1600x32xf32, #tpu.memory_space<vmem>> -> memref<1600x32xf32, #tpu.memory_space<vmem>>
    %dma_wait3A_69 = arith.constant 1600 : i32
    %dma_wait3A_70 = tpu.memref_slice %arg5[%dma_wait3A_69] : memref<25600xi32, #tpu.memory_space<vmem>> -> memref<1600xi32, #tpu.memory_space<vmem>>
    %dma_wait3A_71 = arith.constant 0 : i32
    %dma_wait3A_72 = arith.constant 0 : i32
    %dma_wait3A_73 = tpu.memref_slice %arg3[%dma_wait3A_71, %dma_wait3A_72] : memref<1000064x32xf32, #tpu.memory_space<hbm>> -> memref<1000064x32xf32, #tpu.memory_space<hbm>>
    %dma_wait3A_74 = tpu.memref_slice %arg7[%dma_wait3A_64] : memref<2x!tpu.dma_semaphore, #tpu.memory_space<semaphore_mem>> -> memref<1x!tpu.dma_semaphore, #tpu.memory_space<semaphore_mem>>
    %dma_wait3A_75 = tpu.memref_squeeze %dma_wait3A_74 : memref<1x!tpu.dma_semaphore, #tpu.memory_space<semaphore_mem>> -> memref<!tpu.dma_semaphore, #tpu.memory_space<semaphore_mem>>
    tpu.wait_indirect_dma semaphore(%dma_wait3A_75 : memref<!tpu.dma_semaphore, #tpu.memory_space<semaphore_mem>>) src(%dma_wait3A_73 : memref<1000064x32xf32, #tpu.memory_space<hbm>>) dst(%dma_wait3A_68 : memref<1600x32xf32, #tpu.memory_space<vmem>>)
    %add3A_76 = arith.constant 0 : i32
    %add3A_77 = arith.addi %mul3A_2, %add3A_76 : i32
    %dma_wait3A_78 = arith.constant 0 : i32
    %dma_wait3A_79 = arith.constant 0 : i32
    %dma_wait3A_80 = arith.constant 0 : i32
    %dma_wait3A_81 = arith.constant 0 : i32
    %dma_wait3A_82 = tpu.memref_slice %arg6[%dma_wait3A_78, %dma_wait3A_80, %dma_wait3A_81] : memref<2x1600x32xf32, #tpu.memory_space<vmem>> -> memref<1x1600x32xf32, #tpu.memory_space<vmem>>
    %dma_wait3A_83 = tpu.memref_squeeze %dma_wait3A_82 : memref<1x1600x32xf32, #tpu.memory_space<vmem>> -> memref<1600x32xf32, #tpu.memory_space<vmem>>
    %dma_wait3A_84 = arith.constant 0 : i32
    %dma_wait3A_85 = tpu.memref_slice %arg4[%add3A_77, %dma_wait3A_84] : memref<819200x32xf32, #tpu.memory_space<hbm>> -> memref<1600x32xf32, #tpu.memory_space<hbm>>
    %dma_wait3A_86 = tpu.memref_slice %arg8[%dma_wait3A_79] : memref<2x!tpu.dma_semaphore, #tpu.memory_space<semaphore_mem>> -> memref<1x!tpu.dma_semaphore, #tpu.memory_space<semaphore_mem>>
    %dma_wait3A_87 = tpu.memref_squeeze %dma_wait3A_86 : memref<1x!tpu.dma_semaphore, #tpu.memory_space<semaphore_mem>> -> memref<!tpu.dma_semaphore, #tpu.memory_space<semaphore_mem>>
    %dma_wait3A_88 = arith.constant 0 : i32
    %dma_wait3A_89 = tpu.memref_slice %arg4[%add3A_77, %dma_wait3A_88] : memref<819200x32xf32, #tpu.memory_space<hbm>> -> memref<1600x32xf32, #tpu.memory_space<hbm>>
    %dma_wait3A_90 = arith.constant 0 : i32
    %dma_wait3A_91 = arith.constant 0 : i32
    %dma_wait3A_92 = tpu.memref_slice %arg6[%dma_wait3A_78, %dma_wait3A_90, %dma_wait3A_91] : memref<2x1600x32xf32, #tpu.memory_space<vmem>> -> memref<1x1600x32xf32, #tpu.memory_space<vmem>>
    %dma_wait3A_93 = tpu.memref_squeeze %dma_wait3A_92 : memref<1x1600x32xf32, #tpu.memory_space<vmem>> -> memref<1600x32xf32, #tpu.memory_space<vmem>>
    tpu.wait_dma2 semaphore(%dma_wait3A_87 : memref<!tpu.dma_semaphore, #tpu.memory_space<semaphore_mem>>) src(%dma_wait3A_93 : memref<1600x32xf32, #tpu.memory_space<vmem>>) dst(%dma_wait3A_89 : memref<1600x32xf32, #tpu.memory_space<hbm>>)
    %dma_start3A_94 = arith.constant 0 : i32
    %dma_start3A_95 = arith.constant 0 : i32
    %dma_start3A_96 = arith.constant 0 : i32
    %dma_start3A_97 = arith.constant 0 : i32
    %dma_start3A_98 = tpu.memref_slice %arg6[%dma_start3A_94, %dma_start3A_96, %dma_start3A_97] : memref<2x1600x32xf32, #tpu.memory_space<vmem>> -> memref<1x1600x32xf32, #tpu.memory_space<vmem>>
    %dma_start3A_99 = tpu.memref_squeeze %dma_start3A_98 : memref<1x1600x32xf32, #tpu.memory_space<vmem>> -> memref<1600x32xf32, #tpu.memory_space<vmem>>
    %dma_start3A_100 = arith.constant 3200 : i32
    %dma_start3A_101 = tpu.memref_slice %arg5[%dma_start3A_100] : memref<25600xi32, #tpu.memory_space<vmem>> -> memref<1600xi32, #tpu.memory_space<vmem>>
    %dma_start3A_102 = arith.constant 0 : i32
    %dma_start3A_103 = arith.constant 0 : i32
    %dma_start3A_104 = tpu.memref_slice %arg3[%dma_start3A_102, %dma_start3A_103] : memref<1000064x32xf32, #tpu.memory_space<hbm>> -> memref<1000064x32xf32, #tpu.memory_space<hbm>>
    %dma_start3A_105 = tpu.memref_slice %arg7[%dma_start3A_95] : memref<2x!tpu.dma_semaphore, #tpu.memory_space<semaphore_mem>> -> memref<1x!tpu.dma_semaphore, #tpu.memory_space<semaphore_mem>>
    %dma_start3A_106 = tpu.memref_squeeze %dma_start3A_105 : memref<1x!tpu.dma_semaphore, #tpu.memory_space<semaphore_mem>> -> memref<!tpu.dma_semaphore, #tpu.memory_space<semaphore_mem>>
    tpu.enqueue_indirect_dma source(%dma_start3A_104 : memref<1000064x32xf32, #tpu.memory_space<hbm>>) target(%dma_start3A_99 : memref<1600x32xf32, #tpu.memory_space<vmem>>) offsets(%dma_start3A_101 : memref<1600xi32, #tpu.memory_space<vmem>>) semaphore(%dma_start3A_106 : memref<!tpu.dma_semaphore, #tpu.memory_space<semaphore_mem>>)
    %add3A_107 = arith.constant 1600 : i32
    %add3A_108 = arith.addi %mul3A_2, %add3A_107 : i32
    %dma_start3A_109 = arith.constant 1 : i32
    %dma_start3A_110 = arith.constant 1 : i32
    %dma_start3A_111 = arith.constant 0 : i32
    %dma_start3A_112 = arith.constant 0 : i32
    %dma_start3A_113 = tpu.memref_slice %arg6[%dma_start3A_109, %dma_start3A_111, %dma_start3A_112] : memref<2x1600x32xf32, #tpu.memory_space<vmem>> -> memref<1x1600x32xf32, #tpu.memory_space<vmem>>
    %dma_start3A_114 = tpu.memref_squeeze %dma_start3A_113 : memref<1x1600x32xf32, #tpu.memory_space<vmem>> -> memref<1600x32xf32, #tpu.memory_space<vmem>>
    %dma_start3A_115 = arith.constant 0 : i32
    %dma_start3A_116 = tpu.memref_slice %arg4[%add3A_108, %dma_start3A_115] : memref<819200x32xf32, #tpu.memory_space<hbm>> -> memref<1600x32xf32, #tpu.memory_space<hbm>>
    %dma_start3A_117 = tpu.memref_slice %arg8[%dma_start3A_110] : memref<2x!tpu.dma_semaphore, #tpu.memory_space<semaphore_mem>> -> memref<1x!tpu.dma_semaphore, #tpu.memory_space<semaphore_mem>>
    %dma_start3A_118 = tpu.memref_squeeze %dma_start3A_117 : memref<1x!tpu.dma_semaphore, #tpu.memory_space<semaphore_mem>> -> memref<!tpu.dma_semaphore, #tpu.memory_space<semaphore_mem>>
    %dma_start3A_119 = arith.constant 0 : i32
    %dma_start3A_120 = tpu.memref_slice %arg4[%add3A_108, %dma_start3A_119] : memref<819200x32xf32, #tpu.memory_space<hbm>> -> memref<1600x32xf32, #tpu.memory_space<hbm>>
    %dma_start3A_121 = arith.constant 0 : i32
    %dma_start3A_122 = arith.constant 0 : i32
    %dma_start3A_123 = tpu.memref_slice %arg6[%dma_start3A_109, %dma_start3A_121, %dma_start3A_122] : memref<2x1600x32xf32, #tpu.memory_space<vmem>> -> memref<1x1600x32xf32, #tpu.memory_space<vmem>>
    %dma_start3A_124 = tpu.memref_squeeze %dma_start3A_123 : memref<1x1600x32xf32, #tpu.memory_space<vmem>> -> memref<1600x32xf32, #tpu.memory_space<vmem>>
    tpu.enqueue_dma source(%dma_start3A_124 : memref<1600x32xf32, #tpu.memory_space<vmem>>) target(%dma_start3A_120 : memref<1600x32xf32, #tpu.memory_space<hbm>>) target_semaphore(%dma_start3A_118 : memref<!tpu.dma_semaphore, #tpu.memory_space<semaphore_mem>>)
    %dma_wait3A_125 = arith.constant 0 : i32
    %dma_wait3A_126 = arith.constant 0 : i32
    %dma_wait3A_127 = arith.constant 0 : i32
    %dma_wait3A_128 = arith.constant 0 : i32
    %dma_wait3A_129 = tpu.memref_slice %arg6[%dma_wait3A_125, %dma_wait3A_127, %dma_wait3A_128] : memref<2x1600x32xf32, #tpu.memory_space<vmem>> -> memref<1x1600x32xf32, #tpu.memory_space<vmem>>
    %dma_wait3A_130 = tpu.memref_squeeze %dma_wait3A_129 : memref<1x1600x32xf32, #tpu.memory_space<vmem>> -> memref<1600x32xf32, #tpu.memory_space<vmem>>
    %dma_wait3A_131 = arith.constant 3200 : i32
    %dma_wait3A_132 = tpu.memref_slice %arg5[%dma_wait3A_131] : memref<25600xi32, #tpu.memory_space<vmem>> -> memref<1600xi32, #tpu.memory_space<vmem>>
    %dma_wait3A_133 = arith.constant 0 : i32
    %dma_wait3A_134 = arith.constant 0 : i32
    %dma_wait3A_135 = tpu.memref_slice %arg3[%dma_wait3A_133, %dma_wait3A_134] : memref<1000064x32xf32, #tpu.memory_space<hbm>> -> memref<1000064x32xf32, #tpu.memory_space<hbm>>
    %dma_wait3A_136 = tpu.memref_slice %arg7[%dma_wait3A_126] : memref<2x!tpu.dma_semaphore, #tpu.memory_space<semaphore_mem>> -> memref<1x!tpu.dma_semaphore, #tpu.memory_space<semaphore_mem>>
    %dma_wait3A_137 = tpu.memref_squeeze %dma_wait3A_136 : memref<1x!tpu.dma_semaphore, #tpu.memory_space<semaphore_mem>> -> memref<!tpu.dma_semaphore, #tpu.memory_space<semaphore_mem>>
    tpu.wait_indirect_dma semaphore(%dma_wait3A_137 : memref<!tpu.dma_semaphore, #tpu.memory_space<semaphore_mem>>) src(%dma_wait3A_135 : memref<1000064x32xf32, #tpu.memory_space<hbm>>) dst(%dma_wait3A_130 : memref<1600x32xf32, #tpu.memory_space<vmem>>)
    %add3A_138 = arith.constant 1600 : i32
    %add3A_139 = arith.addi %mul3A_2, %add3A_138 : i32
    %dma_wait3A_140 = arith.constant 1 : i32
    %dma_wait3A_141 = arith.constant 1 : i32
    %dma_wait3A_142 = arith.constant 0 : i32
    %dma_wait3A_143 = arith.constant 0 : i32
    %dma_wait3A_144 = tpu.memref_slice %arg6[%dma_wait3A_140, %dma_wait3A_142, %dma_wait3A_143] : memref<2x1600x32xf32, #tpu.memory_space<vmem>> -> memref<1x1600x32xf32, #tpu.memory_space<vmem>>
    %dma_wait3A_145 = tpu.memref_squeeze %dma_wait3A_144 : memref<1x1600x32xf32, #tpu.memory_space<vmem>> -> memref<1600x32xf32, #tpu.memory_space<vmem>>
    %dma_wait3A_146 = arith.constant 0 : i32
    %dma_wait3A_147 = tpu.memref_slice %arg4[%add3A_139, %dma_wait3A_146] : memref<819200x32xf32, #tpu.memory_space<hbm>> -> memref<1600x32xf32, #tpu.memory_space<hbm>>
    %dma_wait3A_148 = tpu.memref_slice %arg8[%dma_wait3A_141] : memref<2x!tpu.dma_semaphore, #tpu.memory_space<semaphore_mem>> -> memref<1x!tpu.dma_semaphore, #tpu.memory_space<semaphore_mem>>
    %dma_wait3A_149 = tpu.memref_squeeze %dma_wait3A_148 : memref<1x!tpu.dma_semaphore, #tpu.memory_space<semaphore_mem>> -> memref<!tpu.dma_semaphore, #tpu.memory_space<semaphore_mem>>
    %dma_wait3A_150 = arith.constant 0 : i32
    %dma_wait3A_151 = tpu.memref_slice %arg4[%add3A_139, %dma_wait3A_150] : memref<819200x32xf32, #tpu.memory_space<hbm>> -> memref<1600x32xf32, #tpu.memory_space<hbm>>
    %dma_wait3A_152 = arith.constant 0 : i32
    %dma_wait3A_153 = arith.constant 0 : i32
    %dma_wait3A_154 = tpu.memref_slice %arg6[%dma_wait3A_140, %dma_wait3A_152, %dma_wait3A_153] : memref<2x1600x32xf32, #tpu.memory_space<vmem>> -> memref<1x1600x32xf32, #tpu.memory_space<vmem>>
    %dma_wait3A_155 = tpu.memref_squeeze %dma_wait3A_154 : memref<1x1600x32xf32, #tpu.memory_space<vmem>> -> memref<1600x32xf32, #tpu.memory_space<vmem>>
    tpu.wait_dma2 semaphore(%dma_wait3A_149 : memref<!tpu.dma_semaphore, #tpu.memory_space<semaphore_mem>>) src(%dma_wait3A_155 : memref<1600x32xf32, #tpu.memory_space<vmem>>) dst(%dma_wait3A_151 : memref<1600x32xf32, #tpu.memory_space<hbm>>)
    %dma_start3A_156 = arith.constant 1 : i32
    %dma_start3A_157 = arith.constant 1 : i32
    %dma_start3A_158 = arith.constant 0 : i32
    %dma_start3A_159 = arith.constant 0 : i32
    %dma_start3A_160 = tpu.memref_slice %arg6[%dma_start3A_156, %dma_start3A_158, %dma_start3A_159] : memref<2x1600x32xf32, #tpu.memory_space<vmem>> -> memref<1x1600x32xf32, #tpu.memory_space<vmem>>
    %dma_start3A_161 = tpu.memref_squeeze %dma_start3A_160 : memref<1x1600x32xf32, #tpu.memory_space<vmem>> -> memref<1600x32xf32, #tpu.memory_space<vmem>>
    %dma_start3A_162 = arith.constant 4800 : i32
    %dma_start3A_163 = tpu.memref_slice %arg5[%dma_start3A_162] : memref<25600xi32, #tpu.memory_space<vmem>> -> memref<1600xi32, #tpu.memory_space<vmem>>
    %dma_start3A_164 = arith.constant 0 : i32
    %dma_start3A_165 = arith.constant 0 : i32
    %dma_start3A_166 = tpu.memref_slice %arg3[%dma_start3A_164, %dma_start3A_165] : memref<1000064x32xf32, #tpu.memory_space<hbm>> -> memref<1000064x32xf32, #tpu.memory_space<hbm>>
    %dma_start3A_167 = tpu.memref_slice %arg7[%dma_start3A_157] : memref<2x!tpu.dma_semaphore, #tpu.memory_space<semaphore_mem>> -> memref<1x!tpu.dma_semaphore, #tpu.memory_space<semaphore_mem>>
    %dma_start3A_168 = tpu.memref_squeeze %dma_start3A_167 : memref<1x!tpu.dma_semaphore, #tpu.memory_space<semaphore_mem>> -> memref<!tpu.dma_semaphore, #tpu.memory_space<semaphore_mem>>
    tpu.enqueue_indirect_dma source(%dma_start3A_166 : memref<1000064x32xf32, #tpu.memory_space<hbm>>) target(%dma_start3A_161 : memref<1600x32xf32, #tpu.memory_space<vmem>>) offsets(%dma_start3A_163 : memref<1600xi32, #tpu.memory_space<vmem>>) semaphore(%dma_start3A_168 : memref<!tpu.dma_semaphore, #tpu.memory_space<semaphore_mem>>)
    %add3A_169 = arith.constant 3200 : i32
    %add3A_170 = arith.addi %mul3A_2, %add3A_169 : i32
    %dma_start3A_171 = arith.constant 0 : i32
    %dma_start3A_172 = arith.constant 0 : i32
    %dma_start3A_173 = arith.constant 0 : i32
    %dma_start3A_174 = arith.constant 0 : i32
    %dma_start3A_175 = tpu.memref_slice %arg6[%dma_start3A_171, %dma_start3A_173, %dma_start3A_174] : memref<2x1600x32xf32, #tpu.memory_space<vmem>> -> memref<1x1600x32xf32, #tpu.memory_space<vmem>>
    %dma_start3A_176 = tpu.memref_squeeze %dma_start3A_175 : memref<1x1600x32xf32, #tpu.memory_space<vmem>> -> memref<1600x32xf32, #tpu.memory_space<vmem>>
    %dma_start3A_177 = arith.constant 0 : i32
    %dma_start3A_178 = tpu.memref_slice %arg4[%add3A_170, %dma_start3A_177] : memref<819200x32xf32, #tpu.memory_space<hbm>> -> memref<1600x32xf32, #tpu.memory_space<hbm>>
    %dma_start3A_179 = tpu.memref_slice %arg8[%dma_start3A_172] : memref<2x!tpu.dma_semaphore, #tpu.memory_space<semaphore_mem>> -> memref<1x!tpu.dma_semaphore, #tpu.memory_space<semaphore_mem>>
    %dma_start3A_180 = tpu.memref_squeeze %dma_start3A_179 : memref<1x!tpu.dma_semaphore, #tpu.memory_space<semaphore_mem>> -> memref<!tpu.dma_semaphore, #tpu.memory_space<semaphore_mem>>
    %dma_start3A_181 = arith.constant 0 : i32
    %dma_start3A_182 = tpu.memref_slice %arg4[%add3A_170, %dma_start3A_181] : memref<819200x32xf32, #tpu.memory_space<hbm>> -> memref<1600x32xf32, #tpu.memory_space<hbm>>
    %dma_start3A_183 = arith.constant 0 : i32
    %dma_start3A_184 = arith.constant 0 : i32
    %dma_start3A_185 = tpu.memref_slice %arg6[%dma_start3A_171, %dma_start3A_183, %dma_start3A_184] : memref<2x1600x32xf32, #tpu.memory_space<vmem>> -> memref<1x1600x32xf32, #tpu.memory_space<vmem>>
    %dma_start3A_186 = tpu.memref_squeeze %dma_start3A_185 : memref<1x1600x32xf32, #tpu.memory_space<vmem>> -> memref<1600x32xf32, #tpu.memory_space<vmem>>
    tpu.enqueue_dma source(%dma_start3A_186 : memref<1600x32xf32, #tpu.memory_space<vmem>>) target(%dma_start3A_182 : memref<1600x32xf32, #tpu.memory_space<hbm>>) target_semaphore(%dma_start3A_180 : memref<!tpu.dma_semaphore, #tpu.memory_space<semaphore_mem>>)
    %dma_wait3A_187 = arith.constant 1 : i32
    %dma_wait3A_188 = arith.constant 1 : i32
    %dma_wait3A_189 = arith.constant 0 : i32
    %dma_wait3A_190 = arith.constant 0 : i32
    %dma_wait3A_191 = tpu.memref_slice %arg6[%dma_wait3A_187, %dma_wait3A_189, %dma_wait3A_190] : memref<2x1600x32xf32, #tpu.memory_space<vmem>> -> memref<1x1600x32xf32, #tpu.memory_space<vmem>>
    %dma_wait3A_192 = tpu.memref_squeeze %dma_wait3A_191 : memref<1x1600x32xf32, #tpu.memory_space<vmem>> -> memref<1600x32xf32, #tpu.memory_space<vmem>>
    %dma_wait3A_193 = arith.constant 4800 : i32
    %dma_wait3A_194 = tpu.memref_slice %arg5[%dma_wait3A_193] : memref<25600xi32, #tpu.memory_space<vmem>> -> memref<1600xi32, #tpu.memory_space<vmem>>
    %dma_wait3A_195 = arith.constant 0 : i32
    %dma_wait3A_196 = arith.constant 0 : i32
    %dma_wait3A_197 = tpu.memref_slice %arg3[%dma_wait3A_195, %dma_wait3A_196] : memref<1000064x32xf32, #tpu.memory_space<hbm>> -> memref<1000064x32xf32, #tpu.memory_space<hbm>>
    %dma_wait3A_198 = tpu.memref_slice %arg7[%dma_wait3A_188] : memref<2x!tpu.dma_semaphore, #tpu.memory_space<semaphore_mem>> -> memref<1x!tpu.dma_semaphore, #tpu.memory_space<semaphore_mem>>
    %dma_wait3A_199 = tpu.memref_squeeze %dma_wait3A_198 : memref<1x!tpu.dma_semaphore, #tpu.memory_space<semaphore_mem>> -> memref<!tpu.dma_semaphore, #tpu.memory_space<semaphore_mem>>
    tpu.wait_indirect_dma semaphore(%dma_wait3A_199 : memref<!tpu.dma_semaphore, #tpu.memory_space<semaphore_mem>>) src(%dma_wait3A_197 : memref<1000064x32xf32, #tpu.memory_space<hbm>>) dst(%dma_wait3A_192 : memref<1600x32xf32, #tpu.memory_space<vmem>>)
    %add3A_200 = arith.constant 3200 : i32
    %add3A_201 = arith.addi %mul3A_2, %add3A_200 : i32
    %dma_wait3A_202 = arith.constant 0 : i32
    %dma_wait3A_203 = arith.constant 0 : i32
    %dma_wait3A_204 = arith.constant 0 : i32
    %dma_wait3A_205 = arith.constant 0 : i32
    %dma_wait3A_206 = tpu.memref_slice %arg6[%dma_wait3A_202, %dma_wait3A_204, %dma_wait3A_205] : memref<2x1600x32xf32, #tpu.memory_space<vmem>> -> memref<1x1600x32xf32, #tpu.memory_space<vmem>>
    %dma_wait3A_207 = tpu.memref_squeeze %dma_wait3A_206 : memref<1x1600x32xf32, #tpu.memory_space<vmem>> -> memref<1600x32xf32, #tpu.memory_space<vmem>>
    %dma_wait3A_208 = arith.constant 0 : i32
    %dma_wait3A_209 = tpu.memref_slice %arg4[%add3A_201, %dma_wait3A_208] : memref<819200x32xf32, #tpu.memory_space<hbm>> -> memref<1600x32xf32, #tpu.memory_space<hbm>>
    %dma_wait3A_210 = tpu.memref_slice %arg8[%dma_wait3A_203] : memref<2x!tpu.dma_semaphore, #tpu.memory_space<semaphore_mem>> -> memref<1x!tpu.dma_semaphore, #tpu.memory_space<semaphore_mem>>
    %dma_wait3A_211 = tpu.memref_squeeze %dma_wait3A_210 : memref<1x!tpu.dma_semaphore, #tpu.memory_space<semaphore_mem>> -> memref<!tpu.dma_semaphore, #tpu.memory_space<semaphore_mem>>
    %dma_wait3A_212 = arith.constant 0 : i32
    %dma_wait3A_213 = tpu.memref_slice %arg4[%add3A_201, %dma_wait3A_212] : memref<819200x32xf32, #tpu.memory_space<hbm>> -> memref<1600x32xf32, #tpu.memory_space<hbm>>
    %dma_wait3A_214 = arith.constant 0 : i32
    %dma_wait3A_215 = arith.constant 0 : i32
    %dma_wait3A_216 = tpu.memref_slice %arg6[%dma_wait3A_202, %dma_wait3A_214, %dma_wait3A_215] : memref<2x1600x32xf32, #tpu.memory_space<vmem>> -> memref<1x1600x32xf32, #tpu.memory_space<vmem>>
    %dma_wait3A_217 = tpu.memref_squeeze %dma_wait3A_216 : memref<1x1600x32xf32, #tpu.memory_space<vmem>> -> memref<1600x32xf32, #tpu.memory_space<vmem>>
    tpu.wait_dma2 semaphore(%dma_wait3A_211 : memref<!tpu.dma_semaphore, #tpu.memory_space<semaphore_mem>>) src(%dma_wait3A_217 : memref<1600x32xf32, #tpu.memory_space<vmem>>) dst(%dma_wait3A_213 : memref<1600x32xf32, #tpu.memory_space<hbm>>)
    %dma_start3A_218 = arith.constant 0 : i32
    %dma_start3A_219 = arith.constant 0 : i32
    %dma_start3A_220 = arith.constant 0 : i32
    %dma_start3A_221 = arith.constant 0 : i32
    %dma_start3A_222 = tpu.memref_slice %arg6[%dma_start3A_218, %dma_start3A_220, %dma_start3A_221] : memref<2x1600x32xf32, #tpu.memory_space<vmem>> -> memref<1x1600x32xf32, #tpu.memory_space<vmem>>
    %dma_start3A_223 = tpu.memref_squeeze %dma_start3A_222 : memref<1x1600x32xf32, #tpu.memory_space<vmem>> -> memref<1600x32xf32, #tpu.memory_space<vmem>>
    %dma_start3A_224 = arith.constant 6400 : i32
    %dma_start3A_225 = tpu.memref_slice %arg5[%dma_start3A_224] : memref<25600xi32, #tpu.memory_space<vmem>> -> memref<1600xi32, #tpu.memory_space<vmem>>
    %dma_start3A_226 = arith.constant 0 : i32
    %dma_start3A_227 = arith.constant 0 : i32
    %dma_start3A_228 = tpu.memref_slice %arg3[%dma_start3A_226, %dma_start3A_227] : memref<1000064x32xf32, #tpu.memory_space<hbm>> -> memref<1000064x32xf32, #tpu.memory_space<hbm>>
    %dma_start3A_229 = tpu.memref_slice %arg7[%dma_start3A_219] : memref<2x!tpu.dma_semaphore, #tpu.memory_space<semaphore_mem>> -> memref<1x!tpu.dma_semaphore, #tpu.memory_space<semaphore_mem>>
    %dma_start3A_230 = tpu.memref_squeeze %dma_start3A_229 : memref<1x!tpu.dma_semaphore, #tpu.memory_space<semaphore_mem>> -> memref<!tpu.dma_semaphore, #tpu.memory_space<semaphore_mem>>
    tpu.enqueue_indirect_dma source(%dma_start3A_228 : memref<1000064x32xf32, #tpu.memory_space<hbm>>) target(%dma_start3A_223 : memref<1600x32xf32, #tpu.memory_space<vmem>>) offsets(%dma_start3A_225 : memref<1600xi32, #tpu.memory_space<vmem>>) semaphore(%dma_start3A_230 : memref<!tpu.dma_semaphore, #tpu.memory_space<semaphore_mem>>)
    %add3A_231 = arith.constant 4800 : i32
    %add3A_232 = arith.addi %mul3A_2, %add3A_231 : i32
    %dma_start3A_233 = arith.constant 1 : i32
    %dma_start3A_234 = arith.constant 1 : i32
    %dma_start3A_235 = arith.constant 0 : i32
    %dma_start3A_236 = arith.constant 0 : i32
    %dma_start3A_237 = tpu.memref_slice %arg6[%dma_start3A_233, %dma_start3A_235, %dma_start3A_236] : memref<2x1600x32xf32, #tpu.memory_space<vmem>> -> memref<1x1600x32xf32, #tpu.memory_space<vmem>>
    %dma_start3A_238 = tpu.memref_squeeze %dma_start3A_237 : memref<1x1600x32xf32, #tpu.memory_space<vmem>> -> memref<1600x32xf32, #tpu.memory_space<vmem>>
    %dma_start3A_239 = arith.constant 0 : i32
    %dma_start3A_240 = tpu.memref_slice %arg4[%add3A_232, %dma_start3A_239] : memref<819200x32xf32, #tpu.memory_space<hbm>> -> memref<1600x32xf32, #tpu.memory_space<hbm>>
    %dma_start3A_241 = tpu.memref_slice %arg8[%dma_start3A_234] : memref<2x!tpu.dma_semaphore, #tpu.memory_space<semaphore_mem>> -> memref<1x!tpu.dma_semaphore, #tpu.memory_space<semaphore_mem>>
    %dma_start3A_242 = tpu.memref_squeeze %dma_start3A_241 : memref<1x!tpu.dma_semaphore, #tpu.memory_space<semaphore_mem>> -> memref<!tpu.dma_semaphore, #tpu.memory_space<semaphore_mem>>
    %dma_start3A_243 = arith.constant 0 : i32
    %dma_start3A_244 = tpu.memref_slice %arg4[%add3A_232, %dma_start3A_243] : memref<819200x32xf32, #tpu.memory_space<hbm>> -> memref<1600x32xf32, #tpu.memory_space<hbm>>
    %dma_start3A_245 = arith.constant 0 : i32
    %dma_start3A_246 = arith.constant 0 : i32
    %dma_start3A_247 = tpu.memref_slice %arg6[%dma_start3A_233, %dma_start3A_245, %dma_start3A_246] : memref<2x1600x32xf32, #tpu.memory_space<vmem>> -> memref<1x1600x32xf32, #tpu.memory_space<vmem>>
    %dma_start3A_248 = tpu.memref_squeeze %dma_start3A_247 : memref<1x1600x32xf32, #tpu.memory_space<vmem>> -> memref<1600x32xf32, #tpu.memory_space<vmem>>
    tpu.enqueue_dma source(%dma_start3A_248 : memref<1600x32xf32, #tpu.memory_space<vmem>>) target(%dma_start3A_244 : memref<1600x32xf32, #tpu.memory_space<hbm>>) target_semaphore(%dma_start3A_242 : memref<!tpu.dma_semaphore, #tpu.memory_space<semaphore_mem>>)
    %dma_wait3A_249 = arith.constant 0 : i32
    %dma_wait3A_250 = arith.constant 0 : i32
    %dma_wait3A_251 = arith.constant 0 : i32
    %dma_wait3A_252 = arith.constant 0 : i32
    %dma_wait3A_253 = tpu.memref_slice %arg6[%dma_wait3A_249, %dma_wait3A_251, %dma_wait3A_252] : memref<2x1600x32xf32, #tpu.memory_space<vmem>> -> memref<1x1600x32xf32, #tpu.memory_space<vmem>>
    %dma_wait3A_254 = tpu.memref_squeeze %dma_wait3A_253 : memref<1x1600x32xf32, #tpu.memory_space<vmem>> -> memref<1600x32xf32, #tpu.memory_space<vmem>>
    %dma_wait3A_255 = arith.constant 6400 : i32
    %dma_wait3A_256 = tpu.memref_slice %arg5[%dma_wait3A_255] : memref<25600xi32, #tpu.memory_space<vmem>> -> memref<1600xi32, #tpu.memory_space<vmem>>
    %dma_wait3A_257 = arith.constant 0 : i32
    %dma_wait3A_258 = arith.constant 0 : i32
    %dma_wait3A_259 = tpu.memref_slice %arg3[%dma_wait3A_257, %dma_wait3A_258] : memref<1000064x32xf32, #tpu.memory_space<hbm>> -> memref<1000064x32xf32, #tpu.memory_space<hbm>>
    %dma_wait3A_260 = tpu.memref_slice %arg7[%dma_wait3A_250] : memref<2x!tpu.dma_semaphore, #tpu.memory_space<semaphore_mem>> -> memref<1x!tpu.dma_semaphore, #tpu.memory_space<semaphore_mem>>
    %dma_wait3A_261 = tpu.memref_squeeze %dma_wait3A_260 : memref<1x!tpu.dma_semaphore, #tpu.memory_space<semaphore_mem>> -> memref<!tpu.dma_semaphore, #tpu.memory_space<semaphore_mem>>
    tpu.wait_indirect_dma semaphore(%dma_wait3A_261 : memref<!tpu.dma_semaphore, #tpu.memory_space<semaphore_mem>>) src(%dma_wait3A_259 : memref<1000064x32xf32, #tpu.memory_space<hbm>>) dst(%dma_wait3A_254 : memref<1600x32xf32, #tpu.memory_space<vmem>>)
    %add3A_262 = arith.constant 4800 : i32
    %add3A_263 = arith.addi %mul3A_2, %add3A_262 : i32
    %dma_wait3A_264 = arith.constant 1 : i32
    %dma_wait3A_265 = arith.constant 1 : i32
    %dma_wait3A_266 = arith.constant 0 : i32
    %dma_wait3A_267 = arith.constant 0 : i32
    %dma_wait3A_268 = tpu.memref_slice %arg6[%dma_wait3A_264, %dma_wait3A_266, %dma_wait3A_267] : memref<2x1600x32xf32, #tpu.memory_space<vmem>> -> memref<1x1600x32xf32, #tpu.memory_space<vmem>>
    %dma_wait3A_269 = tpu.memref_squeeze %dma_wait3A_268 : memref<1x1600x32xf32, #tpu.memory_space<vmem>> -> memref<1600x32xf32, #tpu.memory_space<vmem>>
    %dma_wait3A_270 = arith.constant 0 : i32
    %dma_wait3A_271 = tpu.memref_slice %arg4[%add3A_263, %dma_wait3A_270] : memref<819200x32xf32, #tpu.memory_space<hbm>> -> memref<1600x32xf32, #tpu.memory_space<hbm>>
    %dma_wait3A_272 = tpu.memref_slice %arg8[%dma_wait3A_265] : memref<2x!tpu.dma_semaphore, #tpu.memory_space<semaphore_mem>> -> memref<1x!tpu.dma_semaphore, #tpu.memory_space<semaphore_mem>>
    %dma_wait3A_273 = tpu.memref_squeeze %dma_wait3A_272 : memref<1x!tpu.dma_semaphore, #tpu.memory_space<semaphore_mem>> -> memref<!tpu.dma_semaphore, #tpu.memory_space<semaphore_mem>>
    %dma_wait3A_274 = arith.constant 0 : i32
    %dma_wait3A_275 = tpu.memref_slice %arg4[%add3A_263, %dma_wait3A_274] : memref<819200x32xf32, #tpu.memory_space<hbm>> -> memref<1600x32xf32, #tpu.memory_space<hbm>>
    %dma_wait3A_276 = arith.constant 0 : i32
    %dma_wait3A_277 = arith.constant 0 : i32
    %dma_wait3A_278 = tpu.memref_slice %arg6[%dma_wait3A_264, %dma_wait3A_276, %dma_wait3A_277] : memref<2x1600x32xf32, #tpu.memory_space<vmem>> -> memref<1x1600x32xf32, #tpu.memory_space<vmem>>
    %dma_wait3A_279 = tpu.memref_squeeze %dma_wait3A_278 : memref<1x1600x32xf32, #tpu.memory_space<vmem>> -> memref<1600x32xf32, #tpu.memory_space<vmem>>
    tpu.wait_dma2 semaphore(%dma_wait3A_273 : memref<!tpu.dma_semaphore, #tpu.memory_space<semaphore_mem>>) src(%dma_wait3A_279 : memref<1600x32xf32, #tpu.memory_space<vmem>>) dst(%dma_wait3A_275 : memref<1600x32xf32, #tpu.memory_space<hbm>>)
    %dma_start3A_280 = arith.constant 1 : i32
    %dma_start3A_281 = arith.constant 1 : i32
    %dma_start3A_282 = arith.constant 0 : i32
    %dma_start3A_283 = arith.constant 0 : i32
    %dma_start3A_284 = tpu.memref_slice %arg6[%dma_start3A_280, %dma_start3A_282, %dma_start3A_283] : memref<2x1600x32xf32, #tpu.memory_space<vmem>> -> memref<1x1600x32xf32, #tpu.memory_space<vmem>>
    %dma_start3A_285 = tpu.memref_squeeze %dma_start3A_284 : memref<1x1600x32xf32, #tpu.memory_space<vmem>> -> memref<1600x32xf32, #tpu.memory_space<vmem>>
    %dma_start3A_286 = arith.constant 8000 : i32
    %dma_start3A_287 = tpu.memref_slice %arg5[%dma_start3A_286] : memref<25600xi32, #tpu.memory_space<vmem>> -> memref<1600xi32, #tpu.memory_space<vmem>>
    %dma_start3A_288 = arith.constant 0 : i32
    %dma_start3A_289 = arith.constant 0 : i32
    %dma_start3A_290 = tpu.memref_slice %arg3[%dma_start3A_288, %dma_start3A_289] : memref<1000064x32xf32, #tpu.memory_space<hbm>> -> memref<1000064x32xf32, #tpu.memory_space<hbm>>
    %dma_start3A_291 = tpu.memref_slice %arg7[%dma_start3A_281] : memref<2x!tpu.dma_semaphore, #tpu.memory_space<semaphore_mem>> -> memref<1x!tpu.dma_semaphore, #tpu.memory_space<semaphore_mem>>
    %dma_start3A_292 = tpu.memref_squeeze %dma_start3A_291 : memref<1x!tpu.dma_semaphore, #tpu.memory_space<semaphore_mem>> -> memref<!tpu.dma_semaphore, #tpu.memory_space<semaphore_mem>>
    tpu.enqueue_indirect_dma source(%dma_start3A_290 : memref<1000064x32xf32, #tpu.memory_space<hbm>>) target(%dma_start3A_285 : memref<1600x32xf32, #tpu.memory_space<vmem>>) offsets(%dma_start3A_287 : memref<1600xi32, #tpu.memory_space<vmem>>) semaphore(%dma_start3A_292 : memref<!tpu.dma_semaphore, #tpu.memory_space<semaphore_mem>>)
    %add3A_293 = arith.constant 6400 : i32
    %add3A_294 = arith.addi %mul3A_2, %add3A_293 : i32
    %dma_start3A_295 = arith.constant 0 : i32
    %dma_start3A_296 = arith.constant 0 : i32
    %dma_start3A_297 = arith.constant 0 : i32
    %dma_start3A_298 = arith.constant 0 : i32
    %dma_start3A_299 = tpu.memref_slice %arg6[%dma_start3A_295, %dma_start3A_297, %dma_start3A_298] : memref<2x1600x32xf32, #tpu.memory_space<vmem>> -> memref<1x1600x32xf32, #tpu.memory_space<vmem>>
    %dma_start3A_300 = tpu.memref_squeeze %dma_start3A_299 : memref<1x1600x32xf32, #tpu.memory_space<vmem>> -> memref<1600x32xf32, #tpu.memory_space<vmem>>
    %dma_start3A_301 = arith.constant 0 : i32
    %dma_start3A_302 = tpu.memref_slice %arg4[%add3A_294, %dma_start3A_301] : memref<819200x32xf32, #tpu.memory_space<hbm>> -> memref<1600x32xf32, #tpu.memory_space<hbm>>
    %dma_start3A_303 = tpu.memref_slice %arg8[%dma_start3A_296] : memref<2x!tpu.dma_semaphore, #tpu.memory_space<semaphore_mem>> -> memref<1x!tpu.dma_semaphore, #tpu.memory_space<semaphore_mem>>
    %dma_start3A_304 = tpu.memref_squeeze %dma_start3A_303 : memref<1x!tpu.dma_semaphore, #tpu.memory_space<semaphore_mem>> -> memref<!tpu.dma_semaphore, #tpu.memory_space<semaphore_mem>>
    %dma_start3A_305 = arith.constant 0 : i32
    %dma_start3A_306 = tpu.memref_slice %arg4[%add3A_294, %dma_start3A_305] : memref<819200x32xf32, #tpu.memory_space<hbm>> -> memref<1600x32xf32, #tpu.memory_space<hbm>>
    %dma_start3A_307 = arith.constant 0 : i32
    %dma_start3A_308 = arith.constant 0 : i32
    %dma_start3A_309 = tpu.memref_slice %arg6[%dma_start3A_295, %dma_start3A_307, %dma_start3A_308] : memref<2x1600x32xf32, #tpu.memory_space<vmem>> -> memref<1x1600x32xf32, #tpu.memory_space<vmem>>
    %dma_start3A_310 = tpu.memref_squeeze %dma_start3A_309 : memref<1x1600x32xf32, #tpu.memory_space<vmem>> -> memref<1600x32xf32, #tpu.memory_space<vmem>>
    tpu.enqueue_dma source(%dma_start3A_310 : memref<1600x32xf32, #tpu.memory_space<vmem>>) target(%dma_start3A_306 : memref<1600x32xf32, #tpu.memory_space<hbm>>) target_semaphore(%dma_start3A_304 : memref<!tpu.dma_semaphore, #tpu.memory_space<semaphore_mem>>)
    %dma_wait3A_311 = arith.constant 1 : i32
    %dma_wait3A_312 = arith.constant 1 : i32
    %dma_wait3A_313 = arith.constant 0 : i32
    %dma_wait3A_314 = arith.constant 0 : i32
    %dma_wait3A_315 = tpu.memref_slice %arg6[%dma_wait3A_311, %dma_wait3A_313, %dma_wait3A_314] : memref<2x1600x32xf32, #tpu.memory_space<vmem>> -> memref<1x1600x32xf32, #tpu.memory_space<vmem>>
    %dma_wait3A_316 = tpu.memref_squeeze %dma_wait3A_315 : memref<1x1600x32xf32, #tpu.memory_space<vmem>> -> memref<1600x32xf32, #tpu.memory_space<vmem>>
    %dma_wait3A_317 = arith.constant 8000 : i32
    %dma_wait3A_318 = tpu.memref_slice %arg5[%dma_wait3A_317] : memref<25600xi32, #tpu.memory_space<vmem>> -> memref<1600xi32, #tpu.memory_space<vmem>>
    %dma_wait3A_319 = arith.constant 0 : i32
    %dma_wait3A_320 = arith.constant 0 : i32
    %dma_wait3A_321 = tpu.memref_slice %arg3[%dma_wait3A_319, %dma_wait3A_320] : memref<1000064x32xf32, #tpu.memory_space<hbm>> -> memref<1000064x32xf32, #tpu.memory_space<hbm>>
    %dma_wait3A_322 = tpu.memref_slice %arg7[%dma_wait3A_312] : memref<2x!tpu.dma_semaphore, #tpu.memory_space<semaphore_mem>> -> memref<1x!tpu.dma_semaphore, #tpu.memory_space<semaphore_mem>>
    %dma_wait3A_323 = tpu.memref_squeeze %dma_wait3A_322 : memref<1x!tpu.dma_semaphore, #tpu.memory_space<semaphore_mem>> -> memref<!tpu.dma_semaphore, #tpu.memory_space<semaphore_mem>>
    tpu.wait_indirect_dma semaphore(%dma_wait3A_323 : memref<!tpu.dma_semaphore, #tpu.memory_space<semaphore_mem>>) src(%dma_wait3A_321 : memref<1000064x32xf32, #tpu.memory_space<hbm>>) dst(%dma_wait3A_316 : memref<1600x32xf32, #tpu.memory_space<vmem>>)
    %add3A_324 = arith.constant 6400 : i32
    %add3A_325 = arith.addi %mul3A_2, %add3A_324 : i32
    %dma_wait3A_326 = arith.constant 0 : i32
    %dma_wait3A_327 = arith.constant 0 : i32
    %dma_wait3A_328 = arith.constant 0 : i32
    %dma_wait3A_329 = arith.constant 0 : i32
    %dma_wait3A_330 = tpu.memref_slice %arg6[%dma_wait3A_326, %dma_wait3A_328, %dma_wait3A_329] : memref<2x1600x32xf32, #tpu.memory_space<vmem>> -> memref<1x1600x32xf32, #tpu.memory_space<vmem>>
    %dma_wait3A_331 = tpu.memref_squeeze %dma_wait3A_330 : memref<1x1600x32xf32, #tpu.memory_space<vmem>> -> memref<1600x32xf32, #tpu.memory_space<vmem>>
    %dma_wait3A_332 = arith.constant 0 : i32
    %dma_wait3A_333 = tpu.memref_slice %arg4[%add3A_325, %dma_wait3A_332] : memref<819200x32xf32, #tpu.memory_space<hbm>> -> memref<1600x32xf32, #tpu.memory_space<hbm>>
    %dma_wait3A_334 = tpu.memref_slice %arg8[%dma_wait3A_327] : memref<2x!tpu.dma_semaphore, #tpu.memory_space<semaphore_mem>> -> memref<1x!tpu.dma_semaphore, #tpu.memory_space<semaphore_mem>>
    %dma_wait3A_335 = tpu.memref_squeeze %dma_wait3A_334 : memref<1x!tpu.dma_semaphore, #tpu.memory_space<semaphore_mem>> -> memref<!tpu.dma_semaphore, #tpu.memory_space<semaphore_mem>>
    %dma_wait3A_336 = arith.constant 0 : i32
    %dma_wait3A_337 = tpu.memref_slice %arg4[%add3A_325, %dma_wait3A_336] : memref<819200x32xf32, #tpu.memory_space<hbm>> -> memref<1600x32xf32, #tpu.memory_space<hbm>>
    %dma_wait3A_338 = arith.constant 0 : i32
    %dma_wait3A_339 = arith.constant 0 : i32
    %dma_wait3A_340 = tpu.memref_slice %arg6[%dma_wait3A_326, %dma_wait3A_338, %dma_wait3A_339] : memref<2x1600x32xf32, #tpu.memory_space<vmem>> -> memref<1x1600x32xf32, #tpu.memory_space<vmem>>
    %dma_wait3A_341 = tpu.memref_squeeze %dma_wait3A_340 : memref<1x1600x32xf32, #tpu.memory_space<vmem>> -> memref<1600x32xf32, #tpu.memory_space<vmem>>
    tpu.wait_dma2 semaphore(%dma_wait3A_335 : memref<!tpu.dma_semaphore, #tpu.memory_space<semaphore_mem>>) src(%dma_wait3A_341 : memref<1600x32xf32, #tpu.memory_space<vmem>>) dst(%dma_wait3A_337 : memref<1600x32xf32, #tpu.memory_space<hbm>>)
    %dma_start3A_342 = arith.constant 0 : i32
    %dma_start3A_343 = arith.constant 0 : i32
    %dma_start3A_344 = arith.constant 0 : i32
    %dma_start3A_345 = arith.constant 0 : i32
    %dma_start3A_346 = tpu.memref_slice %arg6[%dma_start3A_342, %dma_start3A_344, %dma_start3A_345] : memref<2x1600x32xf32, #tpu.memory_space<vmem>> -> memref<1x1600x32xf32, #tpu.memory_space<vmem>>
    %dma_start3A_347 = tpu.memref_squeeze %dma_start3A_346 : memref<1x1600x32xf32, #tpu.memory_space<vmem>> -> memref<1600x32xf32, #tpu.memory_space<vmem>>
    %dma_start3A_348 = arith.constant 9600 : i32
    %dma_start3A_349 = tpu.memref_slice %arg5[%dma_start3A_348] : memref<25600xi32, #tpu.memory_space<vmem>> -> memref<1600xi32, #tpu.memory_space<vmem>>
    %dma_start3A_350 = arith.constant 0 : i32
    %dma_start3A_351 = arith.constant 0 : i32
    %dma_start3A_352 = tpu.memref_slice %arg3[%dma_start3A_350, %dma_start3A_351] : memref<1000064x32xf32, #tpu.memory_space<hbm>> -> memref<1000064x32xf32, #tpu.memory_space<hbm>>
    %dma_start3A_353 = tpu.memref_slice %arg7[%dma_start3A_343] : memref<2x!tpu.dma_semaphore, #tpu.memory_space<semaphore_mem>> -> memref<1x!tpu.dma_semaphore, #tpu.memory_space<semaphore_mem>>
    %dma_start3A_354 = tpu.memref_squeeze %dma_start3A_353 : memref<1x!tpu.dma_semaphore, #tpu.memory_space<semaphore_mem>> -> memref<!tpu.dma_semaphore, #tpu.memory_space<semaphore_mem>>
    tpu.enqueue_indirect_dma source(%dma_start3A_352 : memref<1000064x32xf32, #tpu.memory_space<hbm>>) target(%dma_start3A_347 : memref<1600x32xf32, #tpu.memory_space<vmem>>) offsets(%dma_start3A_349 : memref<1600xi32, #tpu.memory_space<vmem>>) semaphore(%dma_start3A_354 : memref<!tpu.dma_semaphore, #tpu.memory_space<semaphore_mem>>)
    %add3A_355 = arith.constant 8000 : i32
    %add3A_356 = arith.addi %mul3A_2, %add3A_355 : i32
    %dma_start3A_357 = arith.constant 1 : i32
    %dma_start3A_358 = arith.constant 1 : i32
    %dma_start3A_359 = arith.constant 0 : i32
    %dma_start3A_360 = arith.constant 0 : i32
    %dma_start3A_361 = tpu.memref_slice %arg6[%dma_start3A_357, %dma_start3A_359, %dma_start3A_360] : memref<2x1600x32xf32, #tpu.memory_space<vmem>> -> memref<1x1600x32xf32, #tpu.memory_space<vmem>>
    %dma_start3A_362 = tpu.memref_squeeze %dma_start3A_361 : memref<1x1600x32xf32, #tpu.memory_space<vmem>> -> memref<1600x32xf32, #tpu.memory_space<vmem>>
    %dma_start3A_363 = arith.constant 0 : i32
    %dma_start3A_364 = tpu.memref_slice %arg4[%add3A_356, %dma_start3A_363] : memref<819200x32xf32, #tpu.memory_space<hbm>> -> memref<1600x32xf32, #tpu.memory_space<hbm>>
    %dma_start3A_365 = tpu.memref_slice %arg8[%dma_start3A_358] : memref<2x!tpu.dma_semaphore, #tpu.memory_space<semaphore_mem>> -> memref<1x!tpu.dma_semaphore, #tpu.memory_space<semaphore_mem>>
    %dma_start3A_366 = tpu.memref_squeeze %dma_start3A_365 : memref<1x!tpu.dma_semaphore, #tpu.memory_space<semaphore_mem>> -> memref<!tpu.dma_semaphore, #tpu.memory_space<semaphore_mem>>
    %dma_start3A_367 = arith.constant 0 : i32
    %dma_start3A_368 = tpu.memref_slice %arg4[%add3A_356, %dma_start3A_367] : memref<819200x32xf32, #tpu.memory_space<hbm>> -> memref<1600x32xf32, #tpu.memory_space<hbm>>
    %dma_start3A_369 = arith.constant 0 : i32
    %dma_start3A_370 = arith.constant 0 : i32
    %dma_start3A_371 = tpu.memref_slice %arg6[%dma_start3A_357, %dma_start3A_369, %dma_start3A_370] : memref<2x1600x32xf32, #tpu.memory_space<vmem>> -> memref<1x1600x32xf32, #tpu.memory_space<vmem>>
    %dma_start3A_372 = tpu.memref_squeeze %dma_start3A_371 : memref<1x1600x32xf32, #tpu.memory_space<vmem>> -> memref<1600x32xf32, #tpu.memory_space<vmem>>
    tpu.enqueue_dma source(%dma_start3A_372 : memref<1600x32xf32, #tpu.memory_space<vmem>>) target(%dma_start3A_368 : memref<1600x32xf32, #tpu.memory_space<hbm>>) target_semaphore(%dma_start3A_366 : memref<!tpu.dma_semaphore, #tpu.memory_space<semaphore_mem>>)
    %dma_wait3A_373 = arith.constant 0 : i32
    %dma_wait3A_374 = arith.constant 0 : i32
    %dma_wait3A_375 = arith.constant 0 : i32
    %dma_wait3A_376 = arith.constant 0 : i32
    %dma_wait3A_377 = tpu.memref_slice %arg6[%dma_wait3A_373, %dma_wait3A_375, %dma_wait3A_376] : memref<2x1600x32xf32, #tpu.memory_space<vmem>> -> memref<1x1600x32xf32, #tpu.memory_space<vmem>>
    %dma_wait3A_378 = tpu.memref_squeeze %dma_wait3A_377 : memref<1x1600x32xf32, #tpu.memory_space<vmem>> -> memref<1600x32xf32, #tpu.memory_space<vmem>>
    %dma_wait3A_379 = arith.constant 9600 : i32
    %dma_wait3A_380 = tpu.memref_slice %arg5[%dma_wait3A_379] : memref<25600xi32, #tpu.memory_space<vmem>> -> memref<1600xi32, #tpu.memory_space<vmem>>
    %dma_wait3A_381 = arith.constant 0 : i32
    %dma_wait3A_382 = arith.constant 0 : i32
    %dma_wait3A_383 = tpu.memref_slice %arg3[%dma_wait3A_381, %dma_wait3A_382] : memref<1000064x32xf32, #tpu.memory_space<hbm>> -> memref<1000064x32xf32, #tpu.memory_space<hbm>>
    %dma_wait3A_384 = tpu.memref_slice %arg7[%dma_wait3A_374] : memref<2x!tpu.dma_semaphore, #tpu.memory_space<semaphore_mem>> -> memref<1x!tpu.dma_semaphore, #tpu.memory_space<semaphore_mem>>
    %dma_wait3A_385 = tpu.memref_squeeze %dma_wait3A_384 : memref<1x!tpu.dma_semaphore, #tpu.memory_space<semaphore_mem>> -> memref<!tpu.dma_semaphore, #tpu.memory_space<semaphore_mem>>
    tpu.wait_indirect_dma semaphore(%dma_wait3A_385 : memref<!tpu.dma_semaphore, #tpu.memory_space<semaphore_mem>>) src(%dma_wait3A_383 : memref<1000064x32xf32, #tpu.memory_space<hbm>>) dst(%dma_wait3A_378 : memref<1600x32xf32, #tpu.memory_space<vmem>>)
    %add3A_386 = arith.constant 8000 : i32
    %add3A_387 = arith.addi %mul3A_2, %add3A_386 : i32
    %dma_wait3A_388 = arith.constant 1 : i32
    %dma_wait3A_389 = arith.constant 1 : i32
    %dma_wait3A_390 = arith.constant 0 : i32
    %dma_wait3A_391 = arith.constant 0 : i32
    %dma_wait3A_392 = tpu.memref_slice %arg6[%dma_wait3A_388, %dma_wait3A_390, %dma_wait3A_391] : memref<2x1600x32xf32, #tpu.memory_space<vmem>> -> memref<1x1600x32xf32, #tpu.memory_space<vmem>>
    %dma_wait3A_393 = tpu.memref_squeeze %dma_wait3A_392 : memref<1x1600x32xf32, #tpu.memory_space<vmem>> -> memref<1600x32xf32, #tpu.memory_space<vmem>>
    %dma_wait3A_394 = arith.constant 0 : i32
    %dma_wait3A_395 = tpu.memref_slice %arg4[%add3A_387, %dma_wait3A_394] : memref<819200x32xf32, #tpu.memory_space<hbm>> -> memref<1600x32xf32, #tpu.memory_space<hbm>>
    %dma_wait3A_396 = tpu.memref_slice %arg8[%dma_wait3A_389] : memref<2x!tpu.dma_semaphore, #tpu.memory_space<semaphore_mem>> -> memref<1x!tpu.dma_semaphore, #tpu.memory_space<semaphore_mem>>
    %dma_wait3A_397 = tpu.memref_squeeze %dma_wait3A_396 : memref<1x!tpu.dma_semaphore, #tpu.memory_space<semaphore_mem>> -> memref<!tpu.dma_semaphore, #tpu.memory_space<semaphore_mem>>
    %dma_wait3A_398 = arith.constant 0 : i32
    %dma_wait3A_399 = tpu.memref_slice %arg4[%add3A_387, %dma_wait3A_398] : memref<819200x32xf32, #tpu.memory_space<hbm>> -> memref<1600x32xf32, #tpu.memory_space<hbm>>
    %dma_wait3A_400 = arith.constant 0 : i32
    %dma_wait3A_401 = arith.constant 0 : i32
    %dma_wait3A_402 = tpu.memref_slice %arg6[%dma_wait3A_388, %dma_wait3A_400, %dma_wait3A_401] : memref<2x1600x32xf32, #tpu.memory_space<vmem>> -> memref<1x1600x32xf32, #tpu.memory_space<vmem>>
    %dma_wait3A_403 = tpu.memref_squeeze %dma_wait3A_402 : memref<1x1600x32xf32, #tpu.memory_space<vmem>> -> memref<1600x32xf32, #tpu.memory_space<vmem>>
    tpu.wait_dma2 semaphore(%dma_wait3A_397 : memref<!tpu.dma_semaphore, #tpu.memory_space<semaphore_mem>>) src(%dma_wait3A_403 : memref<1600x32xf32, #tpu.memory_space<vmem>>) dst(%dma_wait3A_399 : memref<1600x32xf32, #tpu.memory_space<hbm>>)
    %dma_start3A_404 = arith.constant 1 : i32
    %dma_start3A_405 = arith.constant 1 : i32
    %dma_start3A_406 = arith.constant 0 : i32
    %dma_start3A_407 = arith.constant 0 : i32
    %dma_start3A_408 = tpu.memref_slice %arg6[%dma_start3A_404, %dma_start3A_406, %dma_start3A_407] : memref<2x1600x32xf32, #tpu.memory_space<vmem>> -> memref<1x1600x32xf32, #tpu.memory_space<vmem>>
    %dma_start3A_409 = tpu.memref_squeeze %dma_start3A_408 : memref<1x1600x32xf32, #tpu.memory_space<vmem>> -> memref<1600x32xf32, #tpu.memory_space<vmem>>
    %dma_start3A_410 = arith.constant 11200 : i32
    %dma_start3A_411 = tpu.memref_slice %arg5[%dma_start3A_410] : memref<25600xi32, #tpu.memory_space<vmem>> -> memref<1600xi32, #tpu.memory_space<vmem>>
    %dma_start3A_412 = arith.constant 0 : i32
    %dma_start3A_413 = arith.constant 0 : i32
    %dma_start3A_414 = tpu.memref_slice %arg3[%dma_start3A_412, %dma_start3A_413] : memref<1000064x32xf32, #tpu.memory_space<hbm>> -> memref<1000064x32xf32, #tpu.memory_space<hbm>>
    %dma_start3A_415 = tpu.memref_slice %arg7[%dma_start3A_405] : memref<2x!tpu.dma_semaphore, #tpu.memory_space<semaphore_mem>> -> memref<1x!tpu.dma_semaphore, #tpu.memory_space<semaphore_mem>>
    %dma_start3A_416 = tpu.memref_squeeze %dma_start3A_415 : memref<1x!tpu.dma_semaphore, #tpu.memory_space<semaphore_mem>> -> memref<!tpu.dma_semaphore, #tpu.memory_space<semaphore_mem>>
    tpu.enqueue_indirect_dma source(%dma_start3A_414 : memref<1000064x32xf32, #tpu.memory_space<hbm>>) target(%dma_start3A_409 : memref<1600x32xf32, #tpu.memory_space<vmem>>) offsets(%dma_start3A_411 : memref<1600xi32, #tpu.memory_space<vmem>>) semaphore(%dma_start3A_416 : memref<!tpu.dma_semaphore, #tpu.memory_space<semaphore_mem>>)
    %add3A_417 = arith.constant 9600 : i32
    %add3A_418 = arith.addi %mul3A_2, %add3A_417 : i32
    %dma_start3A_419 = arith.constant 0 : i32
    %dma_start3A_420 = arith.constant 0 : i32
    %dma_start3A_421 = arith.constant 0 : i32
    %dma_start3A_422 = arith.constant 0 : i32
    %dma_start3A_423 = tpu.memref_slice %arg6[%dma_start3A_419, %dma_start3A_421, %dma_start3A_422] : memref<2x1600x32xf32, #tpu.memory_space<vmem>> -> memref<1x1600x32xf32, #tpu.memory_space<vmem>>
    %dma_start3A_424 = tpu.memref_squeeze %dma_start3A_423 : memref<1x1600x32xf32, #tpu.memory_space<vmem>> -> memref<1600x32xf32, #tpu.memory_space<vmem>>
    %dma_start3A_425 = arith.constant 0 : i32
    %dma_start3A_426 = tpu.memref_slice %arg4[%add3A_418, %dma_start3A_425] : memref<819200x32xf32, #tpu.memory_space<hbm>> -> memref<1600x32xf32, #tpu.memory_space<hbm>>
    %dma_start3A_427 = tpu.memref_slice %arg8[%dma_start3A_420] : memref<2x!tpu.dma_semaphore, #tpu.memory_space<semaphore_mem>> -> memref<1x!tpu.dma_semaphore, #tpu.memory_space<semaphore_mem>>
    %dma_start3A_428 = tpu.memref_squeeze %dma_start3A_427 : memref<1x!tpu.dma_semaphore, #tpu.memory_space<semaphore_mem>> -> memref<!tpu.dma_semaphore, #tpu.memory_space<semaphore_mem>>
    %dma_start3A_429 = arith.constant 0 : i32
    %dma_start3A_430 = tpu.memref_slice %arg4[%add3A_418, %dma_start3A_429] : memref<819200x32xf32, #tpu.memory_space<hbm>> -> memref<1600x32xf32, #tpu.memory_space<hbm>>
    %dma_start3A_431 = arith.constant 0 : i32
    %dma_start3A_432 = arith.constant 0 : i32
    %dma_start3A_433 = tpu.memref_slice %arg6[%dma_start3A_419, %dma_start3A_431, %dma_start3A_432] : memref<2x1600x32xf32, #tpu.memory_space<vmem>> -> memref<1x1600x32xf32, #tpu.memory_space<vmem>>
    %dma_start3A_434 = tpu.memref_squeeze %dma_start3A_433 : memref<1x1600x32xf32, #tpu.memory_space<vmem>> -> memref<1600x32xf32, #tpu.memory_space<vmem>>
    tpu.enqueue_dma source(%dma_start3A_434 : memref<1600x32xf32, #tpu.memory_space<vmem>>) target(%dma_start3A_430 : memref<1600x32xf32, #tpu.memory_space<hbm>>) target_semaphore(%dma_start3A_428 : memref<!tpu.dma_semaphore, #tpu.memory_space<semaphore_mem>>)
    %dma_wait3A_435 = arith.constant 1 : i32
    %dma_wait3A_436 = arith.constant 1 : i32
    %dma_wait3A_437 = arith.constant 0 : i32
    %dma_wait3A_438 = arith.constant 0 : i32
    %dma_wait3A_439 = tpu.memref_slice %arg6[%dma_wait3A_435, %dma_wait3A_437, %dma_wait3A_438] : memref<2x1600x32xf32, #tpu.memory_space<vmem>> -> memref<1x1600x32xf32, #tpu.memory_space<vmem>>
    %dma_wait3A_440 = tpu.memref_squeeze %dma_wait3A_439 : memref<1x1600x32xf32, #tpu.memory_space<vmem>> -> memref<1600x32xf32, #tpu.memory_space<vmem>>
    %dma_wait3A_441 = arith.constant 11200 : i32
    %dma_wait3A_442 = tpu.memref_slice %arg5[%dma_wait3A_441] : memref<25600xi32, #tpu.memory_space<vmem>> -> memref<1600xi32, #tpu.memory_space<vmem>>
    %dma_wait3A_443 = arith.constant 0 : i32
    %dma_wait3A_444 = arith.constant 0 : i32
    %dma_wait3A_445 = tpu.memref_slice %arg3[%dma_wait3A_443, %dma_wait3A_444] : memref<1000064x32xf32, #tpu.memory_space<hbm>> -> memref<1000064x32xf32, #tpu.memory_space<hbm>>
    %dma_wait3A_446 = tpu.memref_slice %arg7[%dma_wait3A_436] : memref<2x!tpu.dma_semaphore, #tpu.memory_space<semaphore_mem>> -> memref<1x!tpu.dma_semaphore, #tpu.memory_space<semaphore_mem>>
    %dma_wait3A_447 = tpu.memref_squeeze %dma_wait3A_446 : memref<1x!tpu.dma_semaphore, #tpu.memory_space<semaphore_mem>> -> memref<!tpu.dma_semaphore, #tpu.memory_space<semaphore_mem>>
    tpu.wait_indirect_dma semaphore(%dma_wait3A_447 : memref<!tpu.dma_semaphore, #tpu.memory_space<semaphore_mem>>) src(%dma_wait3A_445 : memref<1000064x32xf32, #tpu.memory_space<hbm>>) dst(%dma_wait3A_440 : memref<1600x32xf32, #tpu.memory_space<vmem>>)
    %add3A_448 = arith.constant 9600 : i32
    %add3A_449 = arith.addi %mul3A_2, %add3A_448 : i32
    %dma_wait3A_450 = arith.constant 0 : i32
    %dma_wait3A_451 = arith.constant 0 : i32
    %dma_wait3A_452 = arith.constant 0 : i32
    %dma_wait3A_453 = arith.constant 0 : i32
    %dma_wait3A_454 = tpu.memref_slice %arg6[%dma_wait3A_450, %dma_wait3A_452, %dma_wait3A_453] : memref<2x1600x32xf32, #tpu.memory_space<vmem>> -> memref<1x1600x32xf32, #tpu.memory_space<vmem>>
    %dma_wait3A_455 = tpu.memref_squeeze %dma_wait3A_454 : memref<1x1600x32xf32, #tpu.memory_space<vmem>> -> memref<1600x32xf32, #tpu.memory_space<vmem>>
    %dma_wait3A_456 = arith.constant 0 : i32
    %dma_wait3A_457 = tpu.memref_slice %arg4[%add3A_449, %dma_wait3A_456] : memref<819200x32xf32, #tpu.memory_space<hbm>> -> memref<1600x32xf32, #tpu.memory_space<hbm>>
    %dma_wait3A_458 = tpu.memref_slice %arg8[%dma_wait3A_451] : memref<2x!tpu.dma_semaphore, #tpu.memory_space<semaphore_mem>> -> memref<1x!tpu.dma_semaphore, #tpu.memory_space<semaphore_mem>>
    %dma_wait3A_459 = tpu.memref_squeeze %dma_wait3A_458 : memref<1x!tpu.dma_semaphore, #tpu.memory_space<semaphore_mem>> -> memref<!tpu.dma_semaphore, #tpu.memory_space<semaphore_mem>>
    %dma_wait3A_460 = arith.constant 0 : i32
    %dma_wait3A_461 = tpu.memref_slice %arg4[%add3A_449, %dma_wait3A_460] : memref<819200x32xf32, #tpu.memory_space<hbm>> -> memref<1600x32xf32, #tpu.memory_space<hbm>>
    %dma_wait3A_462 = arith.constant 0 : i32
    %dma_wait3A_463 = arith.constant 0 : i32
    %dma_wait3A_464 = tpu.memref_slice %arg6[%dma_wait3A_450, %dma_wait3A_462, %dma_wait3A_463] : memref<2x1600x32xf32, #tpu.memory_space<vmem>> -> memref<1x1600x32xf32, #tpu.memory_space<vmem>>
    %dma_wait3A_465 = tpu.memref_squeeze %dma_wait3A_464 : memref<1x1600x32xf32, #tpu.memory_space<vmem>> -> memref<1600x32xf32, #tpu.memory_space<vmem>>
    tpu.wait_dma2 semaphore(%dma_wait3A_459 : memref<!tpu.dma_semaphore, #tpu.memory_space<semaphore_mem>>) src(%dma_wait3A_465 : memref<1600x32xf32, #tpu.memory_space<vmem>>) dst(%dma_wait3A_461 : memref<1600x32xf32, #tpu.memory_space<hbm>>)
    %dma_start3A_466 = arith.constant 0 : i32
    %dma_start3A_467 = arith.constant 0 : i32
    %dma_start3A_468 = arith.constant 0 : i32
    %dma_start3A_469 = arith.constant 0 : i32
    %dma_start3A_470 = tpu.memref_slice %arg6[%dma_start3A_466, %dma_start3A_468, %dma_start3A_469] : memref<2x1600x32xf32, #tpu.memory_space<vmem>> -> memref<1x1600x32xf32, #tpu.memory_space<vmem>>
    %dma_start3A_471 = tpu.memref_squeeze %dma_start3A_470 : memref<1x1600x32xf32, #tpu.memory_space<vmem>> -> memref<1600x32xf32, #tpu.memory_space<vmem>>
    %dma_start3A_472 = arith.constant 12800 : i32
    %dma_start3A_473 = tpu.memref_slice %arg5[%dma_start3A_472] : memref<25600xi32, #tpu.memory_space<vmem>> -> memref<1600xi32, #tpu.memory_space<vmem>>
    %dma_start3A_474 = arith.constant 0 : i32
    %dma_start3A_475 = arith.constant 0 : i32
    %dma_start3A_476 = tpu.memref_slice %arg3[%dma_start3A_474, %dma_start3A_475] : memref<1000064x32xf32, #tpu.memory_space<hbm>> -> memref<1000064x32xf32, #tpu.memory_space<hbm>>
    %dma_start3A_477 = tpu.memref_slice %arg7[%dma_start3A_467] : memref<2x!tpu.dma_semaphore, #tpu.memory_space<semaphore_mem>> -> memref<1x!tpu.dma_semaphore, #tpu.memory_space<semaphore_mem>>
    %dma_start3A_478 = tpu.memref_squeeze %dma_start3A_477 : memref<1x!tpu.dma_semaphore, #tpu.memory_space<semaphore_mem>> -> memref<!tpu.dma_semaphore, #tpu.memory_space<semaphore_mem>>
    tpu.enqueue_indirect_dma source(%dma_start3A_476 : memref<1000064x32xf32, #tpu.memory_space<hbm>>) target(%dma_start3A_471 : memref<1600x32xf32, #tpu.memory_space<vmem>>) offsets(%dma_start3A_473 : memref<1600xi32, #tpu.memory_space<vmem>>) semaphore(%dma_start3A_478 : memref<!tpu.dma_semaphore, #tpu.memory_space<semaphore_mem>>)
    %add3A_479 = arith.constant 11200 : i32
    %add3A_480 = arith.addi %mul3A_2, %add3A_479 : i32
    %dma_start3A_481 = arith.constant 1 : i32
    %dma_start3A_482 = arith.constant 1 : i32
    %dma_start3A_483 = arith.constant 0 : i32
    %dma_start3A_484 = arith.constant 0 : i32
    %dma_start3A_485 = tpu.memref_slice %arg6[%dma_start3A_481, %dma_start3A_483, %dma_start3A_484] : memref<2x1600x32xf32, #tpu.memory_space<vmem>> -> memref<1x1600x32xf32, #tpu.memory_space<vmem>>
    %dma_start3A_486 = tpu.memref_squeeze %dma_start3A_485 : memref<1x1600x32xf32, #tpu.memory_space<vmem>> -> memref<1600x32xf32, #tpu.memory_space<vmem>>
    %dma_start3A_487 = arith.constant 0 : i32
    %dma_start3A_488 = tpu.memref_slice %arg4[%add3A_480, %dma_start3A_487] : memref<819200x32xf32, #tpu.memory_space<hbm>> -> memref<1600x32xf32, #tpu.memory_space<hbm>>
    %dma_start3A_489 = tpu.memref_slice %arg8[%dma_start3A_482] : memref<2x!tpu.dma_semaphore, #tpu.memory_space<semaphore_mem>> -> memref<1x!tpu.dma_semaphore, #tpu.memory_space<semaphore_mem>>
    %dma_start3A_490 = tpu.memref_squeeze %dma_start3A_489 : memref<1x!tpu.dma_semaphore, #tpu.memory_space<semaphore_mem>> -> memref<!tpu.dma_semaphore, #tpu.memory_space<semaphore_mem>>
    %dma_start3A_491 = arith.constant 0 : i32
    %dma_start3A_492 = tpu.memref_slice %arg4[%add3A_480, %dma_start3A_491] : memref<819200x32xf32, #tpu.memory_space<hbm>> -> memref<1600x32xf32, #tpu.memory_space<hbm>>
    %dma_start3A_493 = arith.constant 0 : i32
    %dma_start3A_494 = arith.constant 0 : i32
    %dma_start3A_495 = tpu.memref_slice %arg6[%dma_start3A_481, %dma_start3A_493, %dma_start3A_494] : memref<2x1600x32xf32, #tpu.memory_space<vmem>> -> memref<1x1600x32xf32, #tpu.memory_space<vmem>>
    %dma_start3A_496 = tpu.memref_squeeze %dma_start3A_495 : memref<1x1600x32xf32, #tpu.memory_space<vmem>> -> memref<1600x32xf32, #tpu.memory_space<vmem>>
    tpu.enqueue_dma source(%dma_start3A_496 : memref<1600x32xf32, #tpu.memory_space<vmem>>) target(%dma_start3A_492 : memref<1600x32xf32, #tpu.memory_space<hbm>>) target_semaphore(%dma_start3A_490 : memref<!tpu.dma_semaphore, #tpu.memory_space<semaphore_mem>>)
    %dma_wait3A_497 = arith.constant 0 : i32
    %dma_wait3A_498 = arith.constant 0 : i32
    %dma_wait3A_499 = arith.constant 0 : i32
    %dma_wait3A_500 = arith.constant 0 : i32
    %dma_wait3A_501 = tpu.memref_slice %arg6[%dma_wait3A_497, %dma_wait3A_499, %dma_wait3A_500] : memref<2x1600x32xf32, #tpu.memory_space<vmem>> -> memref<1x1600x32xf32, #tpu.memory_space<vmem>>
    %dma_wait3A_502 = tpu.memref_squeeze %dma_wait3A_501 : memref<1x1600x32xf32, #tpu.memory_space<vmem>> -> memref<1600x32xf32, #tpu.memory_space<vmem>>
    %dma_wait3A_503 = arith.constant 12800 : i32
    %dma_wait3A_504 = tpu.memref_slice %arg5[%dma_wait3A_503] : memref<25600xi32, #tpu.memory_space<vmem>> -> memref<1600xi32, #tpu.memory_space<vmem>>
    %dma_wait3A_505 = arith.constant 0 : i32
    %dma_wait3A_506 = arith.constant 0 : i32
    %dma_wait3A_507 = tpu.memref_slice %arg3[%dma_wait3A_505, %dma_wait3A_506] : memref<1000064x32xf32, #tpu.memory_space<hbm>> -> memref<1000064x32xf32, #tpu.memory_space<hbm>>
    %dma_wait3A_508 = tpu.memref_slice %arg7[%dma_wait3A_498] : memref<2x!tpu.dma_semaphore, #tpu.memory_space<semaphore_mem>> -> memref<1x!tpu.dma_semaphore, #tpu.memory_space<semaphore_mem>>
    %dma_wait3A_509 = tpu.memref_squeeze %dma_wait3A_508 : memref<1x!tpu.dma_semaphore, #tpu.memory_space<semaphore_mem>> -> memref<!tpu.dma_semaphore, #tpu.memory_space<semaphore_mem>>
    tpu.wait_indirect_dma semaphore(%dma_wait3A_509 : memref<!tpu.dma_semaphore, #tpu.memory_space<semaphore_mem>>) src(%dma_wait3A_507 : memref<1000064x32xf32, #tpu.memory_space<hbm>>) dst(%dma_wait3A_502 : memref<1600x32xf32, #tpu.memory_space<vmem>>)
    %add3A_510 = arith.constant 11200 : i32
    %add3A_511 = arith.addi %mul3A_2, %add3A_510 : i32
    %dma_wait3A_512 = arith.constant 1 : i32
    %dma_wait3A_513 = arith.constant 1 : i32
    %dma_wait3A_514 = arith.constant 0 : i32
    %dma_wait3A_515 = arith.constant 0 : i32
    %dma_wait3A_516 = tpu.memref_slice %arg6[%dma_wait3A_512, %dma_wait3A_514, %dma_wait3A_515] : memref<2x1600x32xf32, #tpu.memory_space<vmem>> -> memref<1x1600x32xf32, #tpu.memory_space<vmem>>
    %dma_wait3A_517 = tpu.memref_squeeze %dma_wait3A_516 : memref<1x1600x32xf32, #tpu.memory_space<vmem>> -> memref<1600x32xf32, #tpu.memory_space<vmem>>
    %dma_wait3A_518 = arith.constant 0 : i32
    %dma_wait3A_519 = tpu.memref_slice %arg4[%add3A_511, %dma_wait3A_518] : memref<819200x32xf32, #tpu.memory_space<hbm>> -> memref<1600x32xf32, #tpu.memory_space<hbm>>
    %dma_wait3A_520 = tpu.memref_slice %arg8[%dma_wait3A_513] : memref<2x!tpu.dma_semaphore, #tpu.memory_space<semaphore_mem>> -> memref<1x!tpu.dma_semaphore, #tpu.memory_space<semaphore_mem>>
    %dma_wait3A_521 = tpu.memref_squeeze %dma_wait3A_520 : memref<1x!tpu.dma_semaphore, #tpu.memory_space<semaphore_mem>> -> memref<!tpu.dma_semaphore, #tpu.memory_space<semaphore_mem>>
    %dma_wait3A_522 = arith.constant 0 : i32
    %dma_wait3A_523 = tpu.memref_slice %arg4[%add3A_511, %dma_wait3A_522] : memref<819200x32xf32, #tpu.memory_space<hbm>> -> memref<1600x32xf32, #tpu.memory_space<hbm>>
    %dma_wait3A_524 = arith.constant 0 : i32
    %dma_wait3A_525 = arith.constant 0 : i32
    %dma_wait3A_526 = tpu.memref_slice %arg6[%dma_wait3A_512, %dma_wait3A_524, %dma_wait3A_525] : memref<2x1600x32xf32, #tpu.memory_space<vmem>> -> memref<1x1600x32xf32, #tpu.memory_space<vmem>>
    %dma_wait3A_527 = tpu.memref_squeeze %dma_wait3A_526 : memref<1x1600x32xf32, #tpu.memory_space<vmem>> -> memref<1600x32xf32, #tpu.memory_space<vmem>>
    tpu.wait_dma2 semaphore(%dma_wait3A_521 : memref<!tpu.dma_semaphore, #tpu.memory_space<semaphore_mem>>) src(%dma_wait3A_527 : memref<1600x32xf32, #tpu.memory_space<vmem>>) dst(%dma_wait3A_523 : memref<1600x32xf32, #tpu.memory_space<hbm>>)
    %dma_start3A_528 = arith.constant 1 : i32
    %dma_start3A_529 = arith.constant 1 : i32
    %dma_start3A_530 = arith.constant 0 : i32
    %dma_start3A_531 = arith.constant 0 : i32
    %dma_start3A_532 = tpu.memref_slice %arg6[%dma_start3A_528, %dma_start3A_530, %dma_start3A_531] : memref<2x1600x32xf32, #tpu.memory_space<vmem>> -> memref<1x1600x32xf32, #tpu.memory_space<vmem>>
    %dma_start3A_533 = tpu.memref_squeeze %dma_start3A_532 : memref<1x1600x32xf32, #tpu.memory_space<vmem>> -> memref<1600x32xf32, #tpu.memory_space<vmem>>
    %dma_start3A_534 = arith.constant 14400 : i32
    %dma_start3A_535 = tpu.memref_slice %arg5[%dma_start3A_534] : memref<25600xi32, #tpu.memory_space<vmem>> -> memref<1600xi32, #tpu.memory_space<vmem>>
    %dma_start3A_536 = arith.constant 0 : i32
    %dma_start3A_537 = arith.constant 0 : i32
    %dma_start3A_538 = tpu.memref_slice %arg3[%dma_start3A_536, %dma_start3A_537] : memref<1000064x32xf32, #tpu.memory_space<hbm>> -> memref<1000064x32xf32, #tpu.memory_space<hbm>>
    %dma_start3A_539 = tpu.memref_slice %arg7[%dma_start3A_529] : memref<2x!tpu.dma_semaphore, #tpu.memory_space<semaphore_mem>> -> memref<1x!tpu.dma_semaphore, #tpu.memory_space<semaphore_mem>>
    %dma_start3A_540 = tpu.memref_squeeze %dma_start3A_539 : memref<1x!tpu.dma_semaphore, #tpu.memory_space<semaphore_mem>> -> memref<!tpu.dma_semaphore, #tpu.memory_space<semaphore_mem>>
    tpu.enqueue_indirect_dma source(%dma_start3A_538 : memref<1000064x32xf32, #tpu.memory_space<hbm>>) target(%dma_start3A_533 : memref<1600x32xf32, #tpu.memory_space<vmem>>) offsets(%dma_start3A_535 : memref<1600xi32, #tpu.memory_space<vmem>>) semaphore(%dma_start3A_540 : memref<!tpu.dma_semaphore, #tpu.memory_space<semaphore_mem>>)
    %add3A_541 = arith.constant 12800 : i32
    %add3A_542 = arith.addi %mul3A_2, %add3A_541 : i32
    %dma_start3A_543 = arith.constant 0 : i32
    %dma_start3A_544 = arith.constant 0 : i32
    %dma_start3A_545 = arith.constant 0 : i32
    %dma_start3A_546 = arith.constant 0 : i32
    %dma_start3A_547 = tpu.memref_slice %arg6[%dma_start3A_543, %dma_start3A_545, %dma_start3A_546] : memref<2x1600x32xf32, #tpu.memory_space<vmem>> -> memref<1x1600x32xf32, #tpu.memory_space<vmem>>
    %dma_start3A_548 = tpu.memref_squeeze %dma_start3A_547 : memref<1x1600x32xf32, #tpu.memory_space<vmem>> -> memref<1600x32xf32, #tpu.memory_space<vmem>>
    %dma_start3A_549 = arith.constant 0 : i32
    %dma_start3A_550 = tpu.memref_slice %arg4[%add3A_542, %dma_start3A_549] : memref<819200x32xf32, #tpu.memory_space<hbm>> -> memref<1600x32xf32, #tpu.memory_space<hbm>>
    %dma_start3A_551 = tpu.memref_slice %arg8[%dma_start3A_544] : memref<2x!tpu.dma_semaphore, #tpu.memory_space<semaphore_mem>> -> memref<1x!tpu.dma_semaphore, #tpu.memory_space<semaphore_mem>>
    %dma_start3A_552 = tpu.memref_squeeze %dma_start3A_551 : memref<1x!tpu.dma_semaphore, #tpu.memory_space<semaphore_mem>> -> memref<!tpu.dma_semaphore, #tpu.memory_space<semaphore_mem>>
    %dma_start3A_553 = arith.constant 0 : i32
    %dma_start3A_554 = tpu.memref_slice %arg4[%add3A_542, %dma_start3A_553] : memref<819200x32xf32, #tpu.memory_space<hbm>> -> memref<1600x32xf32, #tpu.memory_space<hbm>>
    %dma_start3A_555 = arith.constant 0 : i32
    %dma_start3A_556 = arith.constant 0 : i32
    %dma_start3A_557 = tpu.memref_slice %arg6[%dma_start3A_543, %dma_start3A_555, %dma_start3A_556] : memref<2x1600x32xf32, #tpu.memory_space<vmem>> -> memref<1x1600x32xf32, #tpu.memory_space<vmem>>
    %dma_start3A_558 = tpu.memref_squeeze %dma_start3A_557 : memref<1x1600x32xf32, #tpu.memory_space<vmem>> -> memref<1600x32xf32, #tpu.memory_space<vmem>>
    tpu.enqueue_dma source(%dma_start3A_558 : memref<1600x32xf32, #tpu.memory_space<vmem>>) target(%dma_start3A_554 : memref<1600x32xf32, #tpu.memory_space<hbm>>) target_semaphore(%dma_start3A_552 : memref<!tpu.dma_semaphore, #tpu.memory_space<semaphore_mem>>)
    %dma_wait3A_559 = arith.constant 1 : i32
    %dma_wait3A_560 = arith.constant 1 : i32
    %dma_wait3A_561 = arith.constant 0 : i32
    %dma_wait3A_562 = arith.constant 0 : i32
    %dma_wait3A_563 = tpu.memref_slice %arg6[%dma_wait3A_559, %dma_wait3A_561, %dma_wait3A_562] : memref<2x1600x32xf32, #tpu.memory_space<vmem>> -> memref<1x1600x32xf32, #tpu.memory_space<vmem>>
    %dma_wait3A_564 = tpu.memref_squeeze %dma_wait3A_563 : memref<1x1600x32xf32, #tpu.memory_space<vmem>> -> memref<1600x32xf32, #tpu.memory_space<vmem>>
    %dma_wait3A_565 = arith.constant 14400 : i32
    %dma_wait3A_566 = tpu.memref_slice %arg5[%dma_wait3A_565] : memref<25600xi32, #tpu.memory_space<vmem>> -> memref<1600xi32, #tpu.memory_space<vmem>>
    %dma_wait3A_567 = arith.constant 0 : i32
    %dma_wait3A_568 = arith.constant 0 : i32
    %dma_wait3A_569 = tpu.memref_slice %arg3[%dma_wait3A_567, %dma_wait3A_568] : memref<1000064x32xf32, #tpu.memory_space<hbm>> -> memref<1000064x32xf32, #tpu.memory_space<hbm>>
    %dma_wait3A_570 = tpu.memref_slice %arg7[%dma_wait3A_560] : memref<2x!tpu.dma_semaphore, #tpu.memory_space<semaphore_mem>> -> memref<1x!tpu.dma_semaphore, #tpu.memory_space<semaphore_mem>>
    %dma_wait3A_571 = tpu.memref_squeeze %dma_wait3A_570 : memref<1x!tpu.dma_semaphore, #tpu.memory_space<semaphore_mem>> -> memref<!tpu.dma_semaphore, #tpu.memory_space<semaphore_mem>>
    tpu.wait_indirect_dma semaphore(%dma_wait3A_571 : memref<!tpu.dma_semaphore, #tpu.memory_space<semaphore_mem>>) src(%dma_wait3A_569 : memref<1000064x32xf32, #tpu.memory_space<hbm>>) dst(%dma_wait3A_564 : memref<1600x32xf32, #tpu.memory_space<vmem>>)
    %add3A_572 = arith.constant 12800 : i32
    %add3A_573 = arith.addi %mul3A_2, %add3A_572 : i32
    %dma_wait3A_574 = arith.constant 0 : i32
    %dma_wait3A_575 = arith.constant 0 : i32
    %dma_wait3A_576 = arith.constant 0 : i32
    %dma_wait3A_577 = arith.constant 0 : i32
    %dma_wait3A_578 = tpu.memref_slice %arg6[%dma_wait3A_574, %dma_wait3A_576, %dma_wait3A_577] : memref<2x1600x32xf32, #tpu.memory_space<vmem>> -> memref<1x1600x32xf32, #tpu.memory_space<vmem>>
    %dma_wait3A_579 = tpu.memref_squeeze %dma_wait3A_578 : memref<1x1600x32xf32, #tpu.memory_space<vmem>> -> memref<1600x32xf32, #tpu.memory_space<vmem>>
    %dma_wait3A_580 = arith.constant 0 : i32
    %dma_wait3A_581 = tpu.memref_slice %arg4[%add3A_573, %dma_wait3A_580] : memref<819200x32xf32, #tpu.memory_space<hbm>> -> memref<1600x32xf32, #tpu.memory_space<hbm>>
    %dma_wait3A_582 = tpu.memref_slice %arg8[%dma_wait3A_575] : memref<2x!tpu.dma_semaphore, #tpu.memory_space<semaphore_mem>> -> memref<1x!tpu.dma_semaphore, #tpu.memory_space<semaphore_mem>>
    %dma_wait3A_583 = tpu.memref_squeeze %dma_wait3A_582 : memref<1x!tpu.dma_semaphore, #tpu.memory_space<semaphore_mem>> -> memref<!tpu.dma_semaphore, #tpu.memory_space<semaphore_mem>>
    %dma_wait3A_584 = arith.constant 0 : i32
    %dma_wait3A_585 = tpu.memref_slice %arg4[%add3A_573, %dma_wait3A_584] : memref<819200x32xf32, #tpu.memory_space<hbm>> -> memref<1600x32xf32, #tpu.memory_space<hbm>>
    %dma_wait3A_586 = arith.constant 0 : i32
    %dma_wait3A_587 = arith.constant 0 : i32
    %dma_wait3A_588 = tpu.memref_slice %arg6[%dma_wait3A_574, %dma_wait3A_586, %dma_wait3A_587] : memref<2x1600x32xf32, #tpu.memory_space<vmem>> -> memref<1x1600x32xf32, #tpu.memory_space<vmem>>
    %dma_wait3A_589 = tpu.memref_squeeze %dma_wait3A_588 : memref<1x1600x32xf32, #tpu.memory_space<vmem>> -> memref<1600x32xf32, #tpu.memory_space<vmem>>
    tpu.wait_dma2 semaphore(%dma_wait3A_583 : memref<!tpu.dma_semaphore, #tpu.memory_space<semaphore_mem>>) src(%dma_wait3A_589 : memref<1600x32xf32, #tpu.memory_space<vmem>>) dst(%dma_wait3A_585 : memref<1600x32xf32, #tpu.memory_space<hbm>>)
    %dma_start3A_590 = arith.constant 0 : i32
    %dma_start3A_591 = arith.constant 0 : i32
    %dma_start3A_592 = arith.constant 0 : i32
    %dma_start3A_593 = arith.constant 0 : i32
    %dma_start3A_594 = tpu.memref_slice %arg6[%dma_start3A_590, %dma_start3A_592, %dma_start3A_593] : memref<2x1600x32xf32, #tpu.memory_space<vmem>> -> memref<1x1600x32xf32, #tpu.memory_space<vmem>>
    %dma_start3A_595 = tpu.memref_squeeze %dma_start3A_594 : memref<1x1600x32xf32, #tpu.memory_space<vmem>> -> memref<1600x32xf32, #tpu.memory_space<vmem>>
    %dma_start3A_596 = arith.constant 16000 : i32
    %dma_start3A_597 = tpu.memref_slice %arg5[%dma_start3A_596] : memref<25600xi32, #tpu.memory_space<vmem>> -> memref<1600xi32, #tpu.memory_space<vmem>>
    %dma_start3A_598 = arith.constant 0 : i32
    %dma_start3A_599 = arith.constant 0 : i32
    %dma_start3A_600 = tpu.memref_slice %arg3[%dma_start3A_598, %dma_start3A_599] : memref<1000064x32xf32, #tpu.memory_space<hbm>> -> memref<1000064x32xf32, #tpu.memory_space<hbm>>
    %dma_start3A_601 = tpu.memref_slice %arg7[%dma_start3A_591] : memref<2x!tpu.dma_semaphore, #tpu.memory_space<semaphore_mem>> -> memref<1x!tpu.dma_semaphore, #tpu.memory_space<semaphore_mem>>
    %dma_start3A_602 = tpu.memref_squeeze %dma_start3A_601 : memref<1x!tpu.dma_semaphore, #tpu.memory_space<semaphore_mem>> -> memref<!tpu.dma_semaphore, #tpu.memory_space<semaphore_mem>>
    tpu.enqueue_indirect_dma source(%dma_start3A_600 : memref<1000064x32xf32, #tpu.memory_space<hbm>>) target(%dma_start3A_595 : memref<1600x32xf32, #tpu.memory_space<vmem>>) offsets(%dma_start3A_597 : memref<1600xi32, #tpu.memory_space<vmem>>) semaphore(%dma_start3A_602 : memref<!tpu.dma_semaphore, #tpu.memory_space<semaphore_mem>>)
    %add3A_603 = arith.constant 14400 : i32
    %add3A_604 = arith.addi %mul3A_2, %add3A_603 : i32
    %dma_start3A_605 = arith.constant 1 : i32
    %dma_start3A_606 = arith.constant 1 : i32
    %dma_start3A_607 = arith.constant 0 : i32
    %dma_start3A_608 = arith.constant 0 : i32
    %dma_start3A_609 = tpu.memref_slice %arg6[%dma_start3A_605, %dma_start3A_607, %dma_start3A_608] : memref<2x1600x32xf32, #tpu.memory_space<vmem>> -> memref<1x1600x32xf32, #tpu.memory_space<vmem>>
    %dma_start3A_610 = tpu.memref_squeeze %dma_start3A_609 : memref<1x1600x32xf32, #tpu.memory_space<vmem>> -> memref<1600x32xf32, #tpu.memory_space<vmem>>
    %dma_start3A_611 = arith.constant 0 : i32
    %dma_start3A_612 = tpu.memref_slice %arg4[%add3A_604, %dma_start3A_611] : memref<819200x32xf32, #tpu.memory_space<hbm>> -> memref<1600x32xf32, #tpu.memory_space<hbm>>
    %dma_start3A_613 = tpu.memref_slice %arg8[%dma_start3A_606] : memref<2x!tpu.dma_semaphore, #tpu.memory_space<semaphore_mem>> -> memref<1x!tpu.dma_semaphore, #tpu.memory_space<semaphore_mem>>
    %dma_start3A_614 = tpu.memref_squeeze %dma_start3A_613 : memref<1x!tpu.dma_semaphore, #tpu.memory_space<semaphore_mem>> -> memref<!tpu.dma_semaphore, #tpu.memory_space<semaphore_mem>>
    %dma_start3A_615 = arith.constant 0 : i32
    %dma_start3A_616 = tpu.memref_slice %arg4[%add3A_604, %dma_start3A_615] : memref<819200x32xf32, #tpu.memory_space<hbm>> -> memref<1600x32xf32, #tpu.memory_space<hbm>>
    %dma_start3A_617 = arith.constant 0 : i32
    %dma_start3A_618 = arith.constant 0 : i32
    %dma_start3A_619 = tpu.memref_slice %arg6[%dma_start3A_605, %dma_start3A_617, %dma_start3A_618] : memref<2x1600x32xf32, #tpu.memory_space<vmem>> -> memref<1x1600x32xf32, #tpu.memory_space<vmem>>
    %dma_start3A_620 = tpu.memref_squeeze %dma_start3A_619 : memref<1x1600x32xf32, #tpu.memory_space<vmem>> -> memref<1600x32xf32, #tpu.memory_space<vmem>>
    tpu.enqueue_dma source(%dma_start3A_620 : memref<1600x32xf32, #tpu.memory_space<vmem>>) target(%dma_start3A_616 : memref<1600x32xf32, #tpu.memory_space<hbm>>) target_semaphore(%dma_start3A_614 : memref<!tpu.dma_semaphore, #tpu.memory_space<semaphore_mem>>)
    %dma_wait3A_621 = arith.constant 0 : i32
    %dma_wait3A_622 = arith.constant 0 : i32
    %dma_wait3A_623 = arith.constant 0 : i32
    %dma_wait3A_624 = arith.constant 0 : i32
    %dma_wait3A_625 = tpu.memref_slice %arg6[%dma_wait3A_621, %dma_wait3A_623, %dma_wait3A_624] : memref<2x1600x32xf32, #tpu.memory_space<vmem>> -> memref<1x1600x32xf32, #tpu.memory_space<vmem>>
    %dma_wait3A_626 = tpu.memref_squeeze %dma_wait3A_625 : memref<1x1600x32xf32, #tpu.memory_space<vmem>> -> memref<1600x32xf32, #tpu.memory_space<vmem>>
    %dma_wait3A_627 = arith.constant 16000 : i32
    %dma_wait3A_628 = tpu.memref_slice %arg5[%dma_wait3A_627] : memref<25600xi32, #tpu.memory_space<vmem>> -> memref<1600xi32, #tpu.memory_space<vmem>>
    %dma_wait3A_629 = arith.constant 0 : i32
    %dma_wait3A_630 = arith.constant 0 : i32
    %dma_wait3A_631 = tpu.memref_slice %arg3[%dma_wait3A_629, %dma_wait3A_630] : memref<1000064x32xf32, #tpu.memory_space<hbm>> -> memref<1000064x32xf32, #tpu.memory_space<hbm>>
    %dma_wait3A_632 = tpu.memref_slice %arg7[%dma_wait3A_622] : memref<2x!tpu.dma_semaphore, #tpu.memory_space<semaphore_mem>> -> memref<1x!tpu.dma_semaphore, #tpu.memory_space<semaphore_mem>>
    %dma_wait3A_633 = tpu.memref_squeeze %dma_wait3A_632 : memref<1x!tpu.dma_semaphore, #tpu.memory_space<semaphore_mem>> -> memref<!tpu.dma_semaphore, #tpu.memory_space<semaphore_mem>>
    tpu.wait_indirect_dma semaphore(%dma_wait3A_633 : memref<!tpu.dma_semaphore, #tpu.memory_space<semaphore_mem>>) src(%dma_wait3A_631 : memref<1000064x32xf32, #tpu.memory_space<hbm>>) dst(%dma_wait3A_626 : memref<1600x32xf32, #tpu.memory_space<vmem>>)
    %add3A_634 = arith.constant 14400 : i32
    %add3A_635 = arith.addi %mul3A_2, %add3A_634 : i32
    %dma_wait3A_636 = arith.constant 1 : i32
    %dma_wait3A_637 = arith.constant 1 : i32
    %dma_wait3A_638 = arith.constant 0 : i32
    %dma_wait3A_639 = arith.constant 0 : i32
    %dma_wait3A_640 = tpu.memref_slice %arg6[%dma_wait3A_636, %dma_wait3A_638, %dma_wait3A_639] : memref<2x1600x32xf32, #tpu.memory_space<vmem>> -> memref<1x1600x32xf32, #tpu.memory_space<vmem>>
    %dma_wait3A_641 = tpu.memref_squeeze %dma_wait3A_640 : memref<1x1600x32xf32, #tpu.memory_space<vmem>> -> memref<1600x32xf32, #tpu.memory_space<vmem>>
    %dma_wait3A_642 = arith.constant 0 : i32
    %dma_wait3A_643 = tpu.memref_slice %arg4[%add3A_635, %dma_wait3A_642] : memref<819200x32xf32, #tpu.memory_space<hbm>> -> memref<1600x32xf32, #tpu.memory_space<hbm>>
    %dma_wait3A_644 = tpu.memref_slice %arg8[%dma_wait3A_637] : memref<2x!tpu.dma_semaphore, #tpu.memory_space<semaphore_mem>> -> memref<1x!tpu.dma_semaphore, #tpu.memory_space<semaphore_mem>>
    %dma_wait3A_645 = tpu.memref_squeeze %dma_wait3A_644 : memref<1x!tpu.dma_semaphore, #tpu.memory_space<semaphore_mem>> -> memref<!tpu.dma_semaphore, #tpu.memory_space<semaphore_mem>>
    %dma_wait3A_646 = arith.constant 0 : i32
    %dma_wait3A_647 = tpu.memref_slice %arg4[%add3A_635, %dma_wait3A_646] : memref<819200x32xf32, #tpu.memory_space<hbm>> -> memref<1600x32xf32, #tpu.memory_space<hbm>>
    %dma_wait3A_648 = arith.constant 0 : i32
    %dma_wait3A_649 = arith.constant 0 : i32
    %dma_wait3A_650 = tpu.memref_slice %arg6[%dma_wait3A_636, %dma_wait3A_648, %dma_wait3A_649] : memref<2x1600x32xf32, #tpu.memory_space<vmem>> -> memref<1x1600x32xf32, #tpu.memory_space<vmem>>
    %dma_wait3A_651 = tpu.memref_squeeze %dma_wait3A_650 : memref<1x1600x32xf32, #tpu.memory_space<vmem>> -> memref<1600x32xf32, #tpu.memory_space<vmem>>
    tpu.wait_dma2 semaphore(%dma_wait3A_645 : memref<!tpu.dma_semaphore, #tpu.memory_space<semaphore_mem>>) src(%dma_wait3A_651 : memref<1600x32xf32, #tpu.memory_space<vmem>>) dst(%dma_wait3A_647 : memref<1600x32xf32, #tpu.memory_space<hbm>>)
    %dma_start3A_652 = arith.constant 1 : i32
    %dma_start3A_653 = arith.constant 1 : i32
    %dma_start3A_654 = arith.constant 0 : i32
    %dma_start3A_655 = arith.constant 0 : i32
    %dma_start3A_656 = tpu.memref_slice %arg6[%dma_start3A_652, %dma_start3A_654, %dma_start3A_655] : memref<2x1600x32xf32, #tpu.memory_space<vmem>> -> memref<1x1600x32xf32, #tpu.memory_space<vmem>>
    %dma_start3A_657 = tpu.memref_squeeze %dma_start3A_656 : memref<1x1600x32xf32, #tpu.memory_space<vmem>> -> memref<1600x32xf32, #tpu.memory_space<vmem>>
    %dma_start3A_658 = arith.constant 17600 : i32
    %dma_start3A_659 = tpu.memref_slice %arg5[%dma_start3A_658] : memref<25600xi32, #tpu.memory_space<vmem>> -> memref<1600xi32, #tpu.memory_space<vmem>>
    %dma_start3A_660 = arith.constant 0 : i32
    %dma_start3A_661 = arith.constant 0 : i32
    %dma_start3A_662 = tpu.memref_slice %arg3[%dma_start3A_660, %dma_start3A_661] : memref<1000064x32xf32, #tpu.memory_space<hbm>> -> memref<1000064x32xf32, #tpu.memory_space<hbm>>
    %dma_start3A_663 = tpu.memref_slice %arg7[%dma_start3A_653] : memref<2x!tpu.dma_semaphore, #tpu.memory_space<semaphore_mem>> -> memref<1x!tpu.dma_semaphore, #tpu.memory_space<semaphore_mem>>
    %dma_start3A_664 = tpu.memref_squeeze %dma_start3A_663 : memref<1x!tpu.dma_semaphore, #tpu.memory_space<semaphore_mem>> -> memref<!tpu.dma_semaphore, #tpu.memory_space<semaphore_mem>>
    tpu.enqueue_indirect_dma source(%dma_start3A_662 : memref<1000064x32xf32, #tpu.memory_space<hbm>>) target(%dma_start3A_657 : memref<1600x32xf32, #tpu.memory_space<vmem>>) offsets(%dma_start3A_659 : memref<1600xi32, #tpu.memory_space<vmem>>) semaphore(%dma_start3A_664 : memref<!tpu.dma_semaphore, #tpu.memory_space<semaphore_mem>>)
    %add3A_665 = arith.constant 16000 : i32
    %add3A_666 = arith.addi %mul3A_2, %add3A_665 : i32
    %dma_start3A_667 = arith.constant 0 : i32
    %dma_start3A_668 = arith.constant 0 : i32
    %dma_start3A_669 = arith.constant 0 : i32
    %dma_start3A_670 = arith.constant 0 : i32
    %dma_start3A_671 = tpu.memref_slice %arg6[%dma_start3A_667, %dma_start3A_669, %dma_start3A_670] : memref<2x1600x32xf32, #tpu.memory_space<vmem>> -> memref<1x1600x32xf32, #tpu.memory_space<vmem>>
    %dma_start3A_672 = tpu.memref_squeeze %dma_start3A_671 : memref<1x1600x32xf32, #tpu.memory_space<vmem>> -> memref<1600x32xf32, #tpu.memory_space<vmem>>
    %dma_start3A_673 = arith.constant 0 : i32
    %dma_start3A_674 = tpu.memref_slice %arg4[%add3A_666, %dma_start3A_673] : memref<819200x32xf32, #tpu.memory_space<hbm>> -> memref<1600x32xf32, #tpu.memory_space<hbm>>
    %dma_start3A_675 = tpu.memref_slice %arg8[%dma_start3A_668] : memref<2x!tpu.dma_semaphore, #tpu.memory_space<semaphore_mem>> -> memref<1x!tpu.dma_semaphore, #tpu.memory_space<semaphore_mem>>
    %dma_start3A_676 = tpu.memref_squeeze %dma_start3A_675 : memref<1x!tpu.dma_semaphore, #tpu.memory_space<semaphore_mem>> -> memref<!tpu.dma_semaphore, #tpu.memory_space<semaphore_mem>>
    %dma_start3A_677 = arith.constant 0 : i32
    %dma_start3A_678 = tpu.memref_slice %arg4[%add3A_666, %dma_start3A_677] : memref<819200x32xf32, #tpu.memory_space<hbm>> -> memref<1600x32xf32, #tpu.memory_space<hbm>>
    %dma_start3A_679 = arith.constant 0 : i32
    %dma_start3A_680 = arith.constant 0 : i32
    %dma_start3A_681 = tpu.memref_slice %arg6[%dma_start3A_667, %dma_start3A_679, %dma_start3A_680] : memref<2x1600x32xf32, #tpu.memory_space<vmem>> -> memref<1x1600x32xf32, #tpu.memory_space<vmem>>
    %dma_start3A_682 = tpu.memref_squeeze %dma_start3A_681 : memref<1x1600x32xf32, #tpu.memory_space<vmem>> -> memref<1600x32xf32, #tpu.memory_space<vmem>>
    tpu.enqueue_dma source(%dma_start3A_682 : memref<1600x32xf32, #tpu.memory_space<vmem>>) target(%dma_start3A_678 : memref<1600x32xf32, #tpu.memory_space<hbm>>) target_semaphore(%dma_start3A_676 : memref<!tpu.dma_semaphore, #tpu.memory_space<semaphore_mem>>)
    %dma_wait3A_683 = arith.constant 1 : i32
    %dma_wait3A_684 = arith.constant 1 : i32
    %dma_wait3A_685 = arith.constant 0 : i32
    %dma_wait3A_686 = arith.constant 0 : i32
    %dma_wait3A_687 = tpu.memref_slice %arg6[%dma_wait3A_683, %dma_wait3A_685, %dma_wait3A_686] : memref<2x1600x32xf32, #tpu.memory_space<vmem>> -> memref<1x1600x32xf32, #tpu.memory_space<vmem>>
    %dma_wait3A_688 = tpu.memref_squeeze %dma_wait3A_687 : memref<1x1600x32xf32, #tpu.memory_space<vmem>> -> memref<1600x32xf32, #tpu.memory_space<vmem>>
    %dma_wait3A_689 = arith.constant 17600 : i32
    %dma_wait3A_690 = tpu.memref_slice %arg5[%dma_wait3A_689] : memref<25600xi32, #tpu.memory_space<vmem>> -> memref<1600xi32, #tpu.memory_space<vmem>>
    %dma_wait3A_691 = arith.constant 0 : i32
    %dma_wait3A_692 = arith.constant 0 : i32
    %dma_wait3A_693 = tpu.memref_slice %arg3[%dma_wait3A_691, %dma_wait3A_692] : memref<1000064x32xf32, #tpu.memory_space<hbm>> -> memref<1000064x32xf32, #tpu.memory_space<hbm>>
    %dma_wait3A_694 = tpu.memref_slice %arg7[%dma_wait3A_684] : memref<2x!tpu.dma_semaphore, #tpu.memory_space<semaphore_mem>> -> memref<1x!tpu.dma_semaphore, #tpu.memory_space<semaphore_mem>>
    %dma_wait3A_695 = tpu.memref_squeeze %dma_wait3A_694 : memref<1x!tpu.dma_semaphore, #tpu.memory_space<semaphore_mem>> -> memref<!tpu.dma_semaphore, #tpu.memory_space<semaphore_mem>>
    tpu.wait_indirect_dma semaphore(%dma_wait3A_695 : memref<!tpu.dma_semaphore, #tpu.memory_space<semaphore_mem>>) src(%dma_wait3A_693 : memref<1000064x32xf32, #tpu.memory_space<hbm>>) dst(%dma_wait3A_688 : memref<1600x32xf32, #tpu.memory_space<vmem>>)
    %add3A_696 = arith.constant 16000 : i32
    %add3A_697 = arith.addi %mul3A_2, %add3A_696 : i32
    %dma_wait3A_698 = arith.constant 0 : i32
    %dma_wait3A_699 = arith.constant 0 : i32
    %dma_wait3A_700 = arith.constant 0 : i32
    %dma_wait3A_701 = arith.constant 0 : i32
    %dma_wait3A_702 = tpu.memref_slice %arg6[%dma_wait3A_698, %dma_wait3A_700, %dma_wait3A_701] : memref<2x1600x32xf32, #tpu.memory_space<vmem>> -> memref<1x1600x32xf32, #tpu.memory_space<vmem>>
    %dma_wait3A_703 = tpu.memref_squeeze %dma_wait3A_702 : memref<1x1600x32xf32, #tpu.memory_space<vmem>> -> memref<1600x32xf32, #tpu.memory_space<vmem>>
    %dma_wait3A_704 = arith.constant 0 : i32
    %dma_wait3A_705 = tpu.memref_slice %arg4[%add3A_697, %dma_wait3A_704] : memref<819200x32xf32, #tpu.memory_space<hbm>> -> memref<1600x32xf32, #tpu.memory_space<hbm>>
    %dma_wait3A_706 = tpu.memref_slice %arg8[%dma_wait3A_699] : memref<2x!tpu.dma_semaphore, #tpu.memory_space<semaphore_mem>> -> memref<1x!tpu.dma_semaphore, #tpu.memory_space<semaphore_mem>>
    %dma_wait3A_707 = tpu.memref_squeeze %dma_wait3A_706 : memref<1x!tpu.dma_semaphore, #tpu.memory_space<semaphore_mem>> -> memref<!tpu.dma_semaphore, #tpu.memory_space<semaphore_mem>>
    %dma_wait3A_708 = arith.constant 0 : i32
    %dma_wait3A_709 = tpu.memref_slice %arg4[%add3A_697, %dma_wait3A_708] : memref<819200x32xf32, #tpu.memory_space<hbm>> -> memref<1600x32xf32, #tpu.memory_space<hbm>>
    %dma_wait3A_710 = arith.constant 0 : i32
    %dma_wait3A_711 = arith.constant 0 : i32
    %dma_wait3A_712 = tpu.memref_slice %arg6[%dma_wait3A_698, %dma_wait3A_710, %dma_wait3A_711] : memref<2x1600x32xf32, #tpu.memory_space<vmem>> -> memref<1x1600x32xf32, #tpu.memory_space<vmem>>
    %dma_wait3A_713 = tpu.memref_squeeze %dma_wait3A_712 : memref<1x1600x32xf32, #tpu.memory_space<vmem>> -> memref<1600x32xf32, #tpu.memory_space<vmem>>
    tpu.wait_dma2 semaphore(%dma_wait3A_707 : memref<!tpu.dma_semaphore, #tpu.memory_space<semaphore_mem>>) src(%dma_wait3A_713 : memref<1600x32xf32, #tpu.memory_space<vmem>>) dst(%dma_wait3A_709 : memref<1600x32xf32, #tpu.memory_space<hbm>>)
    %dma_start3A_714 = arith.constant 0 : i32
    %dma_start3A_715 = arith.constant 0 : i32
    %dma_start3A_716 = arith.constant 0 : i32
    %dma_start3A_717 = arith.constant 0 : i32
    %dma_start3A_718 = tpu.memref_slice %arg6[%dma_start3A_714, %dma_start3A_716, %dma_start3A_717] : memref<2x1600x32xf32, #tpu.memory_space<vmem>> -> memref<1x1600x32xf32, #tpu.memory_space<vmem>>
    %dma_start3A_719 = tpu.memref_squeeze %dma_start3A_718 : memref<1x1600x32xf32, #tpu.memory_space<vmem>> -> memref<1600x32xf32, #tpu.memory_space<vmem>>
    %dma_start3A_720 = arith.constant 19200 : i32
    %dma_start3A_721 = tpu.memref_slice %arg5[%dma_start3A_720] : memref<25600xi32, #tpu.memory_space<vmem>> -> memref<1600xi32, #tpu.memory_space<vmem>>
    %dma_start3A_722 = arith.constant 0 : i32
    %dma_start3A_723 = arith.constant 0 : i32
    %dma_start3A_724 = tpu.memref_slice %arg3[%dma_start3A_722, %dma_start3A_723] : memref<1000064x32xf32, #tpu.memory_space<hbm>> -> memref<1000064x32xf32, #tpu.memory_space<hbm>>
    %dma_start3A_725 = tpu.memref_slice %arg7[%dma_start3A_715] : memref<2x!tpu.dma_semaphore, #tpu.memory_space<semaphore_mem>> -> memref<1x!tpu.dma_semaphore, #tpu.memory_space<semaphore_mem>>
    %dma_start3A_726 = tpu.memref_squeeze %dma_start3A_725 : memref<1x!tpu.dma_semaphore, #tpu.memory_space<semaphore_mem>> -> memref<!tpu.dma_semaphore, #tpu.memory_space<semaphore_mem>>
    tpu.enqueue_indirect_dma source(%dma_start3A_724 : memref<1000064x32xf32, #tpu.memory_space<hbm>>) target(%dma_start3A_719 : memref<1600x32xf32, #tpu.memory_space<vmem>>) offsets(%dma_start3A_721 : memref<1600xi32, #tpu.memory_space<vmem>>) semaphore(%dma_start3A_726 : memref<!tpu.dma_semaphore, #tpu.memory_space<semaphore_mem>>)
    %add3A_727 = arith.constant 17600 : i32
    %add3A_728 = arith.addi %mul3A_2, %add3A_727 : i32
    %dma_start3A_729 = arith.constant 1 : i32
    %dma_start3A_730 = arith.constant 1 : i32
    %dma_start3A_731 = arith.constant 0 : i32
    %dma_start3A_732 = arith.constant 0 : i32
    %dma_start3A_733 = tpu.memref_slice %arg6[%dma_start3A_729, %dma_start3A_731, %dma_start3A_732] : memref<2x1600x32xf32, #tpu.memory_space<vmem>> -> memref<1x1600x32xf32, #tpu.memory_space<vmem>>
    %dma_start3A_734 = tpu.memref_squeeze %dma_start3A_733 : memref<1x1600x32xf32, #tpu.memory_space<vmem>> -> memref<1600x32xf32, #tpu.memory_space<vmem>>
    %dma_start3A_735 = arith.constant 0 : i32
    %dma_start3A_736 = tpu.memref_slice %arg4[%add3A_728, %dma_start3A_735] : memref<819200x32xf32, #tpu.memory_space<hbm>> -> memref<1600x32xf32, #tpu.memory_space<hbm>>
    %dma_start3A_737 = tpu.memref_slice %arg8[%dma_start3A_730] : memref<2x!tpu.dma_semaphore, #tpu.memory_space<semaphore_mem>> -> memref<1x!tpu.dma_semaphore, #tpu.memory_space<semaphore_mem>>
    %dma_start3A_738 = tpu.memref_squeeze %dma_start3A_737 : memref<1x!tpu.dma_semaphore, #tpu.memory_space<semaphore_mem>> -> memref<!tpu.dma_semaphore, #tpu.memory_space<semaphore_mem>>
    %dma_start3A_739 = arith.constant 0 : i32
    %dma_start3A_740 = tpu.memref_slice %arg4[%add3A_728, %dma_start3A_739] : memref<819200x32xf32, #tpu.memory_space<hbm>> -> memref<1600x32xf32, #tpu.memory_space<hbm>>
    %dma_start3A_741 = arith.constant 0 : i32
    %dma_start3A_742 = arith.constant 0 : i32
    %dma_start3A_743 = tpu.memref_slice %arg6[%dma_start3A_729, %dma_start3A_741, %dma_start3A_742] : memref<2x1600x32xf32, #tpu.memory_space<vmem>> -> memref<1x1600x32xf32, #tpu.memory_space<vmem>>
    %dma_start3A_744 = tpu.memref_squeeze %dma_start3A_743 : memref<1x1600x32xf32, #tpu.memory_space<vmem>> -> memref<1600x32xf32, #tpu.memory_space<vmem>>
    tpu.enqueue_dma source(%dma_start3A_744 : memref<1600x32xf32, #tpu.memory_space<vmem>>) target(%dma_start3A_740 : memref<1600x32xf32, #tpu.memory_space<hbm>>) target_semaphore(%dma_start3A_738 : memref<!tpu.dma_semaphore, #tpu.memory_space<semaphore_mem>>)
    %dma_wait3A_745 = arith.constant 0 : i32
    %dma_wait3A_746 = arith.constant 0 : i32
    %dma_wait3A_747 = arith.constant 0 : i32
    %dma_wait3A_748 = arith.constant 0 : i32
    %dma_wait3A_749 = tpu.memref_slice %arg6[%dma_wait3A_745, %dma_wait3A_747, %dma_wait3A_748] : memref<2x1600x32xf32, #tpu.memory_space<vmem>> -> memref<1x1600x32xf32, #tpu.memory_space<vmem>>
    %dma_wait3A_750 = tpu.memref_squeeze %dma_wait3A_749 : memref<1x1600x32xf32, #tpu.memory_space<vmem>> -> memref<1600x32xf32, #tpu.memory_space<vmem>>
    %dma_wait3A_751 = arith.constant 19200 : i32
    %dma_wait3A_752 = tpu.memref_slice %arg5[%dma_wait3A_751] : memref<25600xi32, #tpu.memory_space<vmem>> -> memref<1600xi32, #tpu.memory_space<vmem>>
    %dma_wait3A_753 = arith.constant 0 : i32
    %dma_wait3A_754 = arith.constant 0 : i32
    %dma_wait3A_755 = tpu.memref_slice %arg3[%dma_wait3A_753, %dma_wait3A_754] : memref<1000064x32xf32, #tpu.memory_space<hbm>> -> memref<1000064x32xf32, #tpu.memory_space<hbm>>
    %dma_wait3A_756 = tpu.memref_slice %arg7[%dma_wait3A_746] : memref<2x!tpu.dma_semaphore, #tpu.memory_space<semaphore_mem>> -> memref<1x!tpu.dma_semaphore, #tpu.memory_space<semaphore_mem>>
    %dma_wait3A_757 = tpu.memref_squeeze %dma_wait3A_756 : memref<1x!tpu.dma_semaphore, #tpu.memory_space<semaphore_mem>> -> memref<!tpu.dma_semaphore, #tpu.memory_space<semaphore_mem>>
    tpu.wait_indirect_dma semaphore(%dma_wait3A_757 : memref<!tpu.dma_semaphore, #tpu.memory_space<semaphore_mem>>) src(%dma_wait3A_755 : memref<1000064x32xf32, #tpu.memory_space<hbm>>) dst(%dma_wait3A_750 : memref<1600x32xf32, #tpu.memory_space<vmem>>)
    %add3A_758 = arith.constant 17600 : i32
    %add3A_759 = arith.addi %mul3A_2, %add3A_758 : i32
    %dma_wait3A_760 = arith.constant 1 : i32
    %dma_wait3A_761 = arith.constant 1 : i32
    %dma_wait3A_762 = arith.constant 0 : i32
    %dma_wait3A_763 = arith.constant 0 : i32
    %dma_wait3A_764 = tpu.memref_slice %arg6[%dma_wait3A_760, %dma_wait3A_762, %dma_wait3A_763] : memref<2x1600x32xf32, #tpu.memory_space<vmem>> -> memref<1x1600x32xf32, #tpu.memory_space<vmem>>
    %dma_wait3A_765 = tpu.memref_squeeze %dma_wait3A_764 : memref<1x1600x32xf32, #tpu.memory_space<vmem>> -> memref<1600x32xf32, #tpu.memory_space<vmem>>
    %dma_wait3A_766 = arith.constant 0 : i32
    %dma_wait3A_767 = tpu.memref_slice %arg4[%add3A_759, %dma_wait3A_766] : memref<819200x32xf32, #tpu.memory_space<hbm>> -> memref<1600x32xf32, #tpu.memory_space<hbm>>
    %dma_wait3A_768 = tpu.memref_slice %arg8[%dma_wait3A_761] : memref<2x!tpu.dma_semaphore, #tpu.memory_space<semaphore_mem>> -> memref<1x!tpu.dma_semaphore, #tpu.memory_space<semaphore_mem>>
    %dma_wait3A_769 = tpu.memref_squeeze %dma_wait3A_768 : memref<1x!tpu.dma_semaphore, #tpu.memory_space<semaphore_mem>> -> memref<!tpu.dma_semaphore, #tpu.memory_space<semaphore_mem>>
    %dma_wait3A_770 = arith.constant 0 : i32
    %dma_wait3A_771 = tpu.memref_slice %arg4[%add3A_759, %dma_wait3A_770] : memref<819200x32xf32, #tpu.memory_space<hbm>> -> memref<1600x32xf32, #tpu.memory_space<hbm>>
    %dma_wait3A_772 = arith.constant 0 : i32
    %dma_wait3A_773 = arith.constant 0 : i32
    %dma_wait3A_774 = tpu.memref_slice %arg6[%dma_wait3A_760, %dma_wait3A_772, %dma_wait3A_773] : memref<2x1600x32xf32, #tpu.memory_space<vmem>> -> memref<1x1600x32xf32, #tpu.memory_space<vmem>>
    %dma_wait3A_775 = tpu.memref_squeeze %dma_wait3A_774 : memref<1x1600x32xf32, #tpu.memory_space<vmem>> -> memref<1600x32xf32, #tpu.memory_space<vmem>>
    tpu.wait_dma2 semaphore(%dma_wait3A_769 : memref<!tpu.dma_semaphore, #tpu.memory_space<semaphore_mem>>) src(%dma_wait3A_775 : memref<1600x32xf32, #tpu.memory_space<vmem>>) dst(%dma_wait3A_771 : memref<1600x32xf32, #tpu.memory_space<hbm>>)
    %dma_start3A_776 = arith.constant 1 : i32
    %dma_start3A_777 = arith.constant 1 : i32
    %dma_start3A_778 = arith.constant 0 : i32
    %dma_start3A_779 = arith.constant 0 : i32
    %dma_start3A_780 = tpu.memref_slice %arg6[%dma_start3A_776, %dma_start3A_778, %dma_start3A_779] : memref<2x1600x32xf32, #tpu.memory_space<vmem>> -> memref<1x1600x32xf32, #tpu.memory_space<vmem>>
    %dma_start3A_781 = tpu.memref_squeeze %dma_start3A_780 : memref<1x1600x32xf32, #tpu.memory_space<vmem>> -> memref<1600x32xf32, #tpu.memory_space<vmem>>
    %dma_start3A_782 = arith.constant 20800 : i32
    %dma_start3A_783 = tpu.memref_slice %arg5[%dma_start3A_782] : memref<25600xi32, #tpu.memory_space<vmem>> -> memref<1600xi32, #tpu.memory_space<vmem>>
    %dma_start3A_784 = arith.constant 0 : i32
    %dma_start3A_785 = arith.constant 0 : i32
    %dma_start3A_786 = tpu.memref_slice %arg3[%dma_start3A_784, %dma_start3A_785] : memref<1000064x32xf32, #tpu.memory_space<hbm>> -> memref<1000064x32xf32, #tpu.memory_space<hbm>>
    %dma_start3A_787 = tpu.memref_slice %arg7[%dma_start3A_777] : memref<2x!tpu.dma_semaphore, #tpu.memory_space<semaphore_mem>> -> memref<1x!tpu.dma_semaphore, #tpu.memory_space<semaphore_mem>>
    %dma_start3A_788 = tpu.memref_squeeze %dma_start3A_787 : memref<1x!tpu.dma_semaphore, #tpu.memory_space<semaphore_mem>> -> memref<!tpu.dma_semaphore, #tpu.memory_space<semaphore_mem>>
    tpu.enqueue_indirect_dma source(%dma_start3A_786 : memref<1000064x32xf32, #tpu.memory_space<hbm>>) target(%dma_start3A_781 : memref<1600x32xf32, #tpu.memory_space<vmem>>) offsets(%dma_start3A_783 : memref<1600xi32, #tpu.memory_space<vmem>>) semaphore(%dma_start3A_788 : memref<!tpu.dma_semaphore, #tpu.memory_space<semaphore_mem>>)
    %add3A_789 = arith.constant 19200 : i32
    %add3A_790 = arith.addi %mul3A_2, %add3A_789 : i32
    %dma_start3A_791 = arith.constant 0 : i32
    %dma_start3A_792 = arith.constant 0 : i32
    %dma_start3A_793 = arith.constant 0 : i32
    %dma_start3A_794 = arith.constant 0 : i32
    %dma_start3A_795 = tpu.memref_slice %arg6[%dma_start3A_791, %dma_start3A_793, %dma_start3A_794] : memref<2x1600x32xf32, #tpu.memory_space<vmem>> -> memref<1x1600x32xf32, #tpu.memory_space<vmem>>
    %dma_start3A_796 = tpu.memref_squeeze %dma_start3A_795 : memref<1x1600x32xf32, #tpu.memory_space<vmem>> -> memref<1600x32xf32, #tpu.memory_space<vmem>>
    %dma_start3A_797 = arith.constant 0 : i32
    %dma_start3A_798 = tpu.memref_slice %arg4[%add3A_790, %dma_start3A_797] : memref<819200x32xf32, #tpu.memory_space<hbm>> -> memref<1600x32xf32, #tpu.memory_space<hbm>>
    %dma_start3A_799 = tpu.memref_slice %arg8[%dma_start3A_792] : memref<2x!tpu.dma_semaphore, #tpu.memory_space<semaphore_mem>> -> memref<1x!tpu.dma_semaphore, #tpu.memory_space<semaphore_mem>>
    %dma_start3A_800 = tpu.memref_squeeze %dma_start3A_799 : memref<1x!tpu.dma_semaphore, #tpu.memory_space<semaphore_mem>> -> memref<!tpu.dma_semaphore, #tpu.memory_space<semaphore_mem>>
    %dma_start3A_801 = arith.constant 0 : i32
    %dma_start3A_802 = tpu.memref_slice %arg4[%add3A_790, %dma_start3A_801] : memref<819200x32xf32, #tpu.memory_space<hbm>> -> memref<1600x32xf32, #tpu.memory_space<hbm>>
    %dma_start3A_803 = arith.constant 0 : i32
    %dma_start3A_804 = arith.constant 0 : i32
    %dma_start3A_805 = tpu.memref_slice %arg6[%dma_start3A_791, %dma_start3A_803, %dma_start3A_804] : memref<2x1600x32xf32, #tpu.memory_space<vmem>> -> memref<1x1600x32xf32, #tpu.memory_space<vmem>>
    %dma_start3A_806 = tpu.memref_squeeze %dma_start3A_805 : memref<1x1600x32xf32, #tpu.memory_space<vmem>> -> memref<1600x32xf32, #tpu.memory_space<vmem>>
    tpu.enqueue_dma source(%dma_start3A_806 : memref<1600x32xf32, #tpu.memory_space<vmem>>) target(%dma_start3A_802 : memref<1600x32xf32, #tpu.memory_space<hbm>>) target_semaphore(%dma_start3A_800 : memref<!tpu.dma_semaphore, #tpu.memory_space<semaphore_mem>>)
    %dma_wait3A_807 = arith.constant 1 : i32
    %dma_wait3A_808 = arith.constant 1 : i32
    %dma_wait3A_809 = arith.constant 0 : i32
    %dma_wait3A_810 = arith.constant 0 : i32
    %dma_wait3A_811 = tpu.memref_slice %arg6[%dma_wait3A_807, %dma_wait3A_809, %dma_wait3A_810] : memref<2x1600x32xf32, #tpu.memory_space<vmem>> -> memref<1x1600x32xf32, #tpu.memory_space<vmem>>
    %dma_wait3A_812 = tpu.memref_squeeze %dma_wait3A_811 : memref<1x1600x32xf32, #tpu.memory_space<vmem>> -> memref<1600x32xf32, #tpu.memory_space<vmem>>
    %dma_wait3A_813 = arith.constant 20800 : i32
    %dma_wait3A_814 = tpu.memref_slice %arg5[%dma_wait3A_813] : memref<25600xi32, #tpu.memory_space<vmem>> -> memref<1600xi32, #tpu.memory_space<vmem>>
    %dma_wait3A_815 = arith.constant 0 : i32
    %dma_wait3A_816 = arith.constant 0 : i32
    %dma_wait3A_817 = tpu.memref_slice %arg3[%dma_wait3A_815, %dma_wait3A_816] : memref<1000064x32xf32, #tpu.memory_space<hbm>> -> memref<1000064x32xf32, #tpu.memory_space<hbm>>
    %dma_wait3A_818 = tpu.memref_slice %arg7[%dma_wait3A_808] : memref<2x!tpu.dma_semaphore, #tpu.memory_space<semaphore_mem>> -> memref<1x!tpu.dma_semaphore, #tpu.memory_space<semaphore_mem>>
    %dma_wait3A_819 = tpu.memref_squeeze %dma_wait3A_818 : memref<1x!tpu.dma_semaphore, #tpu.memory_space<semaphore_mem>> -> memref<!tpu.dma_semaphore, #tpu.memory_space<semaphore_mem>>
    tpu.wait_indirect_dma semaphore(%dma_wait3A_819 : memref<!tpu.dma_semaphore, #tpu.memory_space<semaphore_mem>>) src(%dma_wait3A_817 : memref<1000064x32xf32, #tpu.memory_space<hbm>>) dst(%dma_wait3A_812 : memref<1600x32xf32, #tpu.memory_space<vmem>>)
    %add3A_820 = arith.constant 19200 : i32
    %add3A_821 = arith.addi %mul3A_2, %add3A_820 : i32
    %dma_wait3A_822 = arith.constant 0 : i32
    %dma_wait3A_823 = arith.constant 0 : i32
    %dma_wait3A_824 = arith.constant 0 : i32
    %dma_wait3A_825 = arith.constant 0 : i32
    %dma_wait3A_826 = tpu.memref_slice %arg6[%dma_wait3A_822, %dma_wait3A_824, %dma_wait3A_825] : memref<2x1600x32xf32, #tpu.memory_space<vmem>> -> memref<1x1600x32xf32, #tpu.memory_space<vmem>>
    %dma_wait3A_827 = tpu.memref_squeeze %dma_wait3A_826 : memref<1x1600x32xf32, #tpu.memory_space<vmem>> -> memref<1600x32xf32, #tpu.memory_space<vmem>>
    %dma_wait3A_828 = arith.constant 0 : i32
    %dma_wait3A_829 = tpu.memref_slice %arg4[%add3A_821, %dma_wait3A_828] : memref<819200x32xf32, #tpu.memory_space<hbm>> -> memref<1600x32xf32, #tpu.memory_space<hbm>>
    %dma_wait3A_830 = tpu.memref_slice %arg8[%dma_wait3A_823] : memref<2x!tpu.dma_semaphore, #tpu.memory_space<semaphore_mem>> -> memref<1x!tpu.dma_semaphore, #tpu.memory_space<semaphore_mem>>
    %dma_wait3A_831 = tpu.memref_squeeze %dma_wait3A_830 : memref<1x!tpu.dma_semaphore, #tpu.memory_space<semaphore_mem>> -> memref<!tpu.dma_semaphore, #tpu.memory_space<semaphore_mem>>
    %dma_wait3A_832 = arith.constant 0 : i32
    %dma_wait3A_833 = tpu.memref_slice %arg4[%add3A_821, %dma_wait3A_832] : memref<819200x32xf32, #tpu.memory_space<hbm>> -> memref<1600x32xf32, #tpu.memory_space<hbm>>
    %dma_wait3A_834 = arith.constant 0 : i32
    %dma_wait3A_835 = arith.constant 0 : i32
    %dma_wait3A_836 = tpu.memref_slice %arg6[%dma_wait3A_822, %dma_wait3A_834, %dma_wait3A_835] : memref<2x1600x32xf32, #tpu.memory_space<vmem>> -> memref<1x1600x32xf32, #tpu.memory_space<vmem>>
    %dma_wait3A_837 = tpu.memref_squeeze %dma_wait3A_836 : memref<1x1600x32xf32, #tpu.memory_space<vmem>> -> memref<1600x32xf32, #tpu.memory_space<vmem>>
    tpu.wait_dma2 semaphore(%dma_wait3A_831 : memref<!tpu.dma_semaphore, #tpu.memory_space<semaphore_mem>>) src(%dma_wait3A_837 : memref<1600x32xf32, #tpu.memory_space<vmem>>) dst(%dma_wait3A_833 : memref<1600x32xf32, #tpu.memory_space<hbm>>)
    %dma_start3A_838 = arith.constant 0 : i32
    %dma_start3A_839 = arith.constant 0 : i32
    %dma_start3A_840 = arith.constant 0 : i32
    %dma_start3A_841 = arith.constant 0 : i32
    %dma_start3A_842 = tpu.memref_slice %arg6[%dma_start3A_838, %dma_start3A_840, %dma_start3A_841] : memref<2x1600x32xf32, #tpu.memory_space<vmem>> -> memref<1x1600x32xf32, #tpu.memory_space<vmem>>
    %dma_start3A_843 = tpu.memref_squeeze %dma_start3A_842 : memref<1x1600x32xf32, #tpu.memory_space<vmem>> -> memref<1600x32xf32, #tpu.memory_space<vmem>>
    %dma_start3A_844 = arith.constant 22400 : i32
    %dma_start3A_845 = tpu.memref_slice %arg5[%dma_start3A_844] : memref<25600xi32, #tpu.memory_space<vmem>> -> memref<1600xi32, #tpu.memory_space<vmem>>
    %dma_start3A_846 = arith.constant 0 : i32
    %dma_start3A_847 = arith.constant 0 : i32
    %dma_start3A_848 = tpu.memref_slice %arg3[%dma_start3A_846, %dma_start3A_847] : memref<1000064x32xf32, #tpu.memory_space<hbm>> -> memref<1000064x32xf32, #tpu.memory_space<hbm>>
    %dma_start3A_849 = tpu.memref_slice %arg7[%dma_start3A_839] : memref<2x!tpu.dma_semaphore, #tpu.memory_space<semaphore_mem>> -> memref<1x!tpu.dma_semaphore, #tpu.memory_space<semaphore_mem>>
    %dma_start3A_850 = tpu.memref_squeeze %dma_start3A_849 : memref<1x!tpu.dma_semaphore, #tpu.memory_space<semaphore_mem>> -> memref<!tpu.dma_semaphore, #tpu.memory_space<semaphore_mem>>
    tpu.enqueue_indirect_dma source(%dma_start3A_848 : memref<1000064x32xf32, #tpu.memory_space<hbm>>) target(%dma_start3A_843 : memref<1600x32xf32, #tpu.memory_space<vmem>>) offsets(%dma_start3A_845 : memref<1600xi32, #tpu.memory_space<vmem>>) semaphore(%dma_start3A_850 : memref<!tpu.dma_semaphore, #tpu.memory_space<semaphore_mem>>)
    %add3A_851 = arith.constant 20800 : i32
    %add3A_852 = arith.addi %mul3A_2, %add3A_851 : i32
    %dma_start3A_853 = arith.constant 1 : i32
    %dma_start3A_854 = arith.constant 1 : i32
    %dma_start3A_855 = arith.constant 0 : i32
    %dma_start3A_856 = arith.constant 0 : i32
    %dma_start3A_857 = tpu.memref_slice %arg6[%dma_start3A_853, %dma_start3A_855, %dma_start3A_856] : memref<2x1600x32xf32, #tpu.memory_space<vmem>> -> memref<1x1600x32xf32, #tpu.memory_space<vmem>>
    %dma_start3A_858 = tpu.memref_squeeze %dma_start3A_857 : memref<1x1600x32xf32, #tpu.memory_space<vmem>> -> memref<1600x32xf32, #tpu.memory_space<vmem>>
    %dma_start3A_859 = arith.constant 0 : i32
    %dma_start3A_860 = tpu.memref_slice %arg4[%add3A_852, %dma_start3A_859] : memref<819200x32xf32, #tpu.memory_space<hbm>> -> memref<1600x32xf32, #tpu.memory_space<hbm>>
    %dma_start3A_861 = tpu.memref_slice %arg8[%dma_start3A_854] : memref<2x!tpu.dma_semaphore, #tpu.memory_space<semaphore_mem>> -> memref<1x!tpu.dma_semaphore, #tpu.memory_space<semaphore_mem>>
    %dma_start3A_862 = tpu.memref_squeeze %dma_start3A_861 : memref<1x!tpu.dma_semaphore, #tpu.memory_space<semaphore_mem>> -> memref<!tpu.dma_semaphore, #tpu.memory_space<semaphore_mem>>
    %dma_start3A_863 = arith.constant 0 : i32
    %dma_start3A_864 = tpu.memref_slice %arg4[%add3A_852, %dma_start3A_863] : memref<819200x32xf32, #tpu.memory_space<hbm>> -> memref<1600x32xf32, #tpu.memory_space<hbm>>
    %dma_start3A_865 = arith.constant 0 : i32
    %dma_start3A_866 = arith.constant 0 : i32
    %dma_start3A_867 = tpu.memref_slice %arg6[%dma_start3A_853, %dma_start3A_865, %dma_start3A_866] : memref<2x1600x32xf32, #tpu.memory_space<vmem>> -> memref<1x1600x32xf32, #tpu.memory_space<vmem>>
    %dma_start3A_868 = tpu.memref_squeeze %dma_start3A_867 : memref<1x1600x32xf32, #tpu.memory_space<vmem>> -> memref<1600x32xf32, #tpu.memory_space<vmem>>
    tpu.enqueue_dma source(%dma_start3A_868 : memref<1600x32xf32, #tpu.memory_space<vmem>>) target(%dma_start3A_864 : memref<1600x32xf32, #tpu.memory_space<hbm>>) target_semaphore(%dma_start3A_862 : memref<!tpu.dma_semaphore, #tpu.memory_space<semaphore_mem>>)
    %dma_wait3A_869 = arith.constant 0 : i32
    %dma_wait3A_870 = arith.constant 0 : i32
    %dma_wait3A_871 = arith.constant 0 : i32
    %dma_wait3A_872 = arith.constant 0 : i32
    %dma_wait3A_873 = tpu.memref_slice %arg6[%dma_wait3A_869, %dma_wait3A_871, %dma_wait3A_872] : memref<2x1600x32xf32, #tpu.memory_space<vmem>> -> memref<1x1600x32xf32, #tpu.memory_space<vmem>>
    %dma_wait3A_874 = tpu.memref_squeeze %dma_wait3A_873 : memref<1x1600x32xf32, #tpu.memory_space<vmem>> -> memref<1600x32xf32, #tpu.memory_space<vmem>>
    %dma_wait3A_875 = arith.constant 22400 : i32
    %dma_wait3A_876 = tpu.memref_slice %arg5[%dma_wait3A_875] : memref<25600xi32, #tpu.memory_space<vmem>> -> memref<1600xi32, #tpu.memory_space<vmem>>
    %dma_wait3A_877 = arith.constant 0 : i32
    %dma_wait3A_878 = arith.constant 0 : i32
    %dma_wait3A_879 = tpu.memref_slice %arg3[%dma_wait3A_877, %dma_wait3A_878] : memref<1000064x32xf32, #tpu.memory_space<hbm>> -> memref<1000064x32xf32, #tpu.memory_space<hbm>>
    %dma_wait3A_880 = tpu.memref_slice %arg7[%dma_wait3A_870] : memref<2x!tpu.dma_semaphore, #tpu.memory_space<semaphore_mem>> -> memref<1x!tpu.dma_semaphore, #tpu.memory_space<semaphore_mem>>
    %dma_wait3A_881 = tpu.memref_squeeze %dma_wait3A_880 : memref<1x!tpu.dma_semaphore, #tpu.memory_space<semaphore_mem>> -> memref<!tpu.dma_semaphore, #tpu.memory_space<semaphore_mem>>
    tpu.wait_indirect_dma semaphore(%dma_wait3A_881 : memref<!tpu.dma_semaphore, #tpu.memory_space<semaphore_mem>>) src(%dma_wait3A_879 : memref<1000064x32xf32, #tpu.memory_space<hbm>>) dst(%dma_wait3A_874 : memref<1600x32xf32, #tpu.memory_space<vmem>>)
    %add3A_882 = arith.constant 20800 : i32
    %add3A_883 = arith.addi %mul3A_2, %add3A_882 : i32
    %dma_wait3A_884 = arith.constant 1 : i32
    %dma_wait3A_885 = arith.constant 1 : i32
    %dma_wait3A_886 = arith.constant 0 : i32
    %dma_wait3A_887 = arith.constant 0 : i32
    %dma_wait3A_888 = tpu.memref_slice %arg6[%dma_wait3A_884, %dma_wait3A_886, %dma_wait3A_887] : memref<2x1600x32xf32, #tpu.memory_space<vmem>> -> memref<1x1600x32xf32, #tpu.memory_space<vmem>>
    %dma_wait3A_889 = tpu.memref_squeeze %dma_wait3A_888 : memref<1x1600x32xf32, #tpu.memory_space<vmem>> -> memref<1600x32xf32, #tpu.memory_space<vmem>>
    %dma_wait3A_890 = arith.constant 0 : i32
    %dma_wait3A_891 = tpu.memref_slice %arg4[%add3A_883, %dma_wait3A_890] : memref<819200x32xf32, #tpu.memory_space<hbm>> -> memref<1600x32xf32, #tpu.memory_space<hbm>>
    %dma_wait3A_892 = tpu.memref_slice %arg8[%dma_wait3A_885] : memref<2x!tpu.dma_semaphore, #tpu.memory_space<semaphore_mem>> -> memref<1x!tpu.dma_semaphore, #tpu.memory_space<semaphore_mem>>
    %dma_wait3A_893 = tpu.memref_squeeze %dma_wait3A_892 : memref<1x!tpu.dma_semaphore, #tpu.memory_space<semaphore_mem>> -> memref<!tpu.dma_semaphore, #tpu.memory_space<semaphore_mem>>
    %dma_wait3A_894 = arith.constant 0 : i32
    %dma_wait3A_895 = tpu.memref_slice %arg4[%add3A_883, %dma_wait3A_894] : memref<819200x32xf32, #tpu.memory_space<hbm>> -> memref<1600x32xf32, #tpu.memory_space<hbm>>
    %dma_wait3A_896 = arith.constant 0 : i32
    %dma_wait3A_897 = arith.constant 0 : i32
    %dma_wait3A_898 = tpu.memref_slice %arg6[%dma_wait3A_884, %dma_wait3A_896, %dma_wait3A_897] : memref<2x1600x32xf32, #tpu.memory_space<vmem>> -> memref<1x1600x32xf32, #tpu.memory_space<vmem>>
    %dma_wait3A_899 = tpu.memref_squeeze %dma_wait3A_898 : memref<1x1600x32xf32, #tpu.memory_space<vmem>> -> memref<1600x32xf32, #tpu.memory_space<vmem>>
    tpu.wait_dma2 semaphore(%dma_wait3A_893 : memref<!tpu.dma_semaphore, #tpu.memory_space<semaphore_mem>>) src(%dma_wait3A_899 : memref<1600x32xf32, #tpu.memory_space<vmem>>) dst(%dma_wait3A_895 : memref<1600x32xf32, #tpu.memory_space<hbm>>)
    %dma_start3A_900 = arith.constant 1 : i32
    %dma_start3A_901 = arith.constant 1 : i32
    %dma_start3A_902 = arith.constant 0 : i32
    %dma_start3A_903 = arith.constant 0 : i32
    %dma_start3A_904 = tpu.memref_slice %arg6[%dma_start3A_900, %dma_start3A_902, %dma_start3A_903] : memref<2x1600x32xf32, #tpu.memory_space<vmem>> -> memref<1x1600x32xf32, #tpu.memory_space<vmem>>
    %dma_start3A_905 = tpu.memref_squeeze %dma_start3A_904 : memref<1x1600x32xf32, #tpu.memory_space<vmem>> -> memref<1600x32xf32, #tpu.memory_space<vmem>>
    %dma_start3A_906 = arith.constant 24000 : i32
    %dma_start3A_907 = tpu.memref_slice %arg5[%dma_start3A_906] : memref<25600xi32, #tpu.memory_space<vmem>> -> memref<1600xi32, #tpu.memory_space<vmem>>
    %dma_start3A_908 = arith.constant 0 : i32
    %dma_start3A_909 = arith.constant 0 : i32
    %dma_start3A_910 = tpu.memref_slice %arg3[%dma_start3A_908, %dma_start3A_909] : memref<1000064x32xf32, #tpu.memory_space<hbm>> -> memref<1000064x32xf32, #tpu.memory_space<hbm>>
    %dma_start3A_911 = tpu.memref_slice %arg7[%dma_start3A_901] : memref<2x!tpu.dma_semaphore, #tpu.memory_space<semaphore_mem>> -> memref<1x!tpu.dma_semaphore, #tpu.memory_space<semaphore_mem>>
    %dma_start3A_912 = tpu.memref_squeeze %dma_start3A_911 : memref<1x!tpu.dma_semaphore, #tpu.memory_space<semaphore_mem>> -> memref<!tpu.dma_semaphore, #tpu.memory_space<semaphore_mem>>
    tpu.enqueue_indirect_dma source(%dma_start3A_910 : memref<1000064x32xf32, #tpu.memory_space<hbm>>) target(%dma_start3A_905 : memref<1600x32xf32, #tpu.memory_space<vmem>>) offsets(%dma_start3A_907 : memref<1600xi32, #tpu.memory_space<vmem>>) semaphore(%dma_start3A_912 : memref<!tpu.dma_semaphore, #tpu.memory_space<semaphore_mem>>)
    %add3A_913 = arith.constant 22400 : i32
    %add3A_914 = arith.addi %mul3A_2, %add3A_913 : i32
    %dma_start3A_915 = arith.constant 0 : i32
    %dma_start3A_916 = arith.constant 0 : i32
    %dma_start3A_917 = arith.constant 0 : i32
    %dma_start3A_918 = arith.constant 0 : i32
    %dma_start3A_919 = tpu.memref_slice %arg6[%dma_start3A_915, %dma_start3A_917, %dma_start3A_918] : memref<2x1600x32xf32, #tpu.memory_space<vmem>> -> memref<1x1600x32xf32, #tpu.memory_space<vmem>>
    %dma_start3A_920 = tpu.memref_squeeze %dma_start3A_919 : memref<1x1600x32xf32, #tpu.memory_space<vmem>> -> memref<1600x32xf32, #tpu.memory_space<vmem>>
    %dma_start3A_921 = arith.constant 0 : i32
    %dma_start3A_922 = tpu.memref_slice %arg4[%add3A_914, %dma_start3A_921] : memref<819200x32xf32, #tpu.memory_space<hbm>> -> memref<1600x32xf32, #tpu.memory_space<hbm>>
    %dma_start3A_923 = tpu.memref_slice %arg8[%dma_start3A_916] : memref<2x!tpu.dma_semaphore, #tpu.memory_space<semaphore_mem>> -> memref<1x!tpu.dma_semaphore, #tpu.memory_space<semaphore_mem>>
    %dma_start3A_924 = tpu.memref_squeeze %dma_start3A_923 : memref<1x!tpu.dma_semaphore, #tpu.memory_space<semaphore_mem>> -> memref<!tpu.dma_semaphore, #tpu.memory_space<semaphore_mem>>
    %dma_start3A_925 = arith.constant 0 : i32
    %dma_start3A_926 = tpu.memref_slice %arg4[%add3A_914, %dma_start3A_925] : memref<819200x32xf32, #tpu.memory_space<hbm>> -> memref<1600x32xf32, #tpu.memory_space<hbm>>
    %dma_start3A_927 = arith.constant 0 : i32
    %dma_start3A_928 = arith.constant 0 : i32
    %dma_start3A_929 = tpu.memref_slice %arg6[%dma_start3A_915, %dma_start3A_927, %dma_start3A_928] : memref<2x1600x32xf32, #tpu.memory_space<vmem>> -> memref<1x1600x32xf32, #tpu.memory_space<vmem>>
    %dma_start3A_930 = tpu.memref_squeeze %dma_start3A_929 : memref<1x1600x32xf32, #tpu.memory_space<vmem>> -> memref<1600x32xf32, #tpu.memory_space<vmem>>
    tpu.enqueue_dma source(%dma_start3A_930 : memref<1600x32xf32, #tpu.memory_space<vmem>>) target(%dma_start3A_926 : memref<1600x32xf32, #tpu.memory_space<hbm>>) target_semaphore(%dma_start3A_924 : memref<!tpu.dma_semaphore, #tpu.memory_space<semaphore_mem>>)
    %dma_wait3A_931 = arith.constant 1 : i32
    %dma_wait3A_932 = arith.constant 1 : i32
    %dma_wait3A_933 = arith.constant 0 : i32
    %dma_wait3A_934 = arith.constant 0 : i32
    %dma_wait3A_935 = tpu.memref_slice %arg6[%dma_wait3A_931, %dma_wait3A_933, %dma_wait3A_934] : memref<2x1600x32xf32, #tpu.memory_space<vmem>> -> memref<1x1600x32xf32, #tpu.memory_space<vmem>>
    %dma_wait3A_936 = tpu.memref_squeeze %dma_wait3A_935 : memref<1x1600x32xf32, #tpu.memory_space<vmem>> -> memref<1600x32xf32, #tpu.memory_space<vmem>>
    %dma_wait3A_937 = arith.constant 24000 : i32
    %dma_wait3A_938 = tpu.memref_slice %arg5[%dma_wait3A_937] : memref<25600xi32, #tpu.memory_space<vmem>> -> memref<1600xi32, #tpu.memory_space<vmem>>
    %dma_wait3A_939 = arith.constant 0 : i32
    %dma_wait3A_940 = arith.constant 0 : i32
    %dma_wait3A_941 = tpu.memref_slice %arg3[%dma_wait3A_939, %dma_wait3A_940] : memref<1000064x32xf32, #tpu.memory_space<hbm>> -> memref<1000064x32xf32, #tpu.memory_space<hbm>>
    %dma_wait3A_942 = tpu.memref_slice %arg7[%dma_wait3A_932] : memref<2x!tpu.dma_semaphore, #tpu.memory_space<semaphore_mem>> -> memref<1x!tpu.dma_semaphore, #tpu.memory_space<semaphore_mem>>
    %dma_wait3A_943 = tpu.memref_squeeze %dma_wait3A_942 : memref<1x!tpu.dma_semaphore, #tpu.memory_space<semaphore_mem>> -> memref<!tpu.dma_semaphore, #tpu.memory_space<semaphore_mem>>
    tpu.wait_indirect_dma semaphore(%dma_wait3A_943 : memref<!tpu.dma_semaphore, #tpu.memory_space<semaphore_mem>>) src(%dma_wait3A_941 : memref<1000064x32xf32, #tpu.memory_space<hbm>>) dst(%dma_wait3A_936 : memref<1600x32xf32, #tpu.memory_space<vmem>>)
    %add3A_944 = arith.constant 24000 : i32
    %add3A_945 = arith.addi %mul3A_2, %add3A_944 : i32
    %dma_start3A_946 = arith.constant 1 : i32
    %dma_start3A_947 = arith.constant 1 : i32
    %dma_start3A_948 = arith.constant 0 : i32
    %dma_start3A_949 = arith.constant 0 : i32
    %dma_start3A_950 = tpu.memref_slice %arg6[%dma_start3A_946, %dma_start3A_948, %dma_start3A_949] : memref<2x1600x32xf32, #tpu.memory_space<vmem>> -> memref<1x1600x32xf32, #tpu.memory_space<vmem>>
    %dma_start3A_951 = tpu.memref_squeeze %dma_start3A_950 : memref<1x1600x32xf32, #tpu.memory_space<vmem>> -> memref<1600x32xf32, #tpu.memory_space<vmem>>
    %dma_start3A_952 = arith.constant 0 : i32
    %dma_start3A_953 = tpu.memref_slice %arg4[%add3A_945, %dma_start3A_952] : memref<819200x32xf32, #tpu.memory_space<hbm>> -> memref<1600x32xf32, #tpu.memory_space<hbm>>
    %dma_start3A_954 = tpu.memref_slice %arg8[%dma_start3A_947] : memref<2x!tpu.dma_semaphore, #tpu.memory_space<semaphore_mem>> -> memref<1x!tpu.dma_semaphore, #tpu.memory_space<semaphore_mem>>
    %dma_start3A_955 = tpu.memref_squeeze %dma_start3A_954 : memref<1x!tpu.dma_semaphore, #tpu.memory_space<semaphore_mem>> -> memref<!tpu.dma_semaphore, #tpu.memory_space<semaphore_mem>>
    %dma_start3A_956 = arith.constant 0 : i32
    %dma_start3A_957 = tpu.memref_slice %arg4[%add3A_945, %dma_start3A_956] : memref<819200x32xf32, #tpu.memory_space<hbm>> -> memref<1600x32xf32, #tpu.memory_space<hbm>>
    %dma_start3A_958 = arith.constant 0 : i32
    %dma_start3A_959 = arith.constant 0 : i32
    %dma_start3A_960 = tpu.memref_slice %arg6[%dma_start3A_946, %dma_start3A_958, %dma_start3A_959] : memref<2x1600x32xf32, #tpu.memory_space<vmem>> -> memref<1x1600x32xf32, #tpu.memory_space<vmem>>
    %dma_start3A_961 = tpu.memref_squeeze %dma_start3A_960 : memref<1x1600x32xf32, #tpu.memory_space<vmem>> -> memref<1600x32xf32, #tpu.memory_space<vmem>>
    tpu.enqueue_dma source(%dma_start3A_961 : memref<1600x32xf32, #tpu.memory_space<vmem>>) target(%dma_start3A_957 : memref<1600x32xf32, #tpu.memory_space<hbm>>) target_semaphore(%dma_start3A_955 : memref<!tpu.dma_semaphore, #tpu.memory_space<semaphore_mem>>)
    %add3A_962 = arith.constant 22400 : i32
    %add3A_963 = arith.addi %mul3A_2, %add3A_962 : i32
    %dma_wait3A_964 = arith.constant 0 : i32
    %dma_wait3A_965 = arith.constant 0 : i32
    %dma_wait3A_966 = arith.constant 0 : i32
    %dma_wait3A_967 = arith.constant 0 : i32
    %dma_wait3A_968 = tpu.memref_slice %arg6[%dma_wait3A_964, %dma_wait3A_966, %dma_wait3A_967] : memref<2x1600x32xf32, #tpu.memory_space<vmem>> -> memref<1x1600x32xf32, #tpu.memory_space<vmem>>
    %dma_wait3A_969 = tpu.memref_squeeze %dma_wait3A_968 : memref<1x1600x32xf32, #tpu.memory_space<vmem>> -> memref<1600x32xf32, #tpu.memory_space<vmem>>
    %dma_wait3A_970 = arith.constant 0 : i32
    %dma_wait3A_971 = tpu.memref_slice %arg4[%add3A_963, %dma_wait3A_970] : memref<819200x32xf32, #tpu.memory_space<hbm>> -> memref<1600x32xf32, #tpu.memory_space<hbm>>
    %dma_wait3A_972 = tpu.memref_slice %arg8[%dma_wait3A_965] : memref<2x!tpu.dma_semaphore, #tpu.memory_space<semaphore_mem>> -> memref<1x!tpu.dma_semaphore, #tpu.memory_space<semaphore_mem>>
    %dma_wait3A_973 = tpu.memref_squeeze %dma_wait3A_972 : memref<1x!tpu.dma_semaphore, #tpu.memory_space<semaphore_mem>> -> memref<!tpu.dma_semaphore, #tpu.memory_space<semaphore_mem>>
    %dma_wait3A_974 = arith.constant 0 : i32
    %dma_wait3A_975 = tpu.memref_slice %arg4[%add3A_963, %dma_wait3A_974] : memref<819200x32xf32, #tpu.memory_space<hbm>> -> memref<1600x32xf32, #tpu.memory_space<hbm>>
    %dma_wait3A_976 = arith.constant 0 : i32
    %dma_wait3A_977 = arith.constant 0 : i32
    %dma_wait3A_978 = tpu.memref_slice %arg6[%dma_wait3A_964, %dma_wait3A_976, %dma_wait3A_977] : memref<2x1600x32xf32, #tpu.memory_space<vmem>> -> memref<1x1600x32xf32, #tpu.memory_space<vmem>>
    %dma_wait3A_979 = tpu.memref_squeeze %dma_wait3A_978 : memref<1x1600x32xf32, #tpu.memory_space<vmem>> -> memref<1600x32xf32, #tpu.memory_space<vmem>>
    tpu.wait_dma2 semaphore(%dma_wait3A_973 : memref<!tpu.dma_semaphore, #tpu.memory_space<semaphore_mem>>) src(%dma_wait3A_979 : memref<1600x32xf32, #tpu.memory_space<vmem>>) dst(%dma_wait3A_975 : memref<1600x32xf32, #tpu.memory_space<hbm>>)
    %add3A_980 = arith.constant 24000 : i32
    %add3A_981 = arith.addi %mul3A_2, %add3A_980 : i32
    %dma_wait3A_982 = arith.constant 1 : i32
    %dma_wait3A_983 = arith.constant 1 : i32
    %dma_wait3A_984 = arith.constant 0 : i32
    %dma_wait3A_985 = arith.constant 0 : i32
    %dma_wait3A_986 = tpu.memref_slice %arg6[%dma_wait3A_982, %dma_wait3A_984, %dma_wait3A_985] : memref<2x1600x32xf32, #tpu.memory_space<vmem>> -> memref<1x1600x32xf32, #tpu.memory_space<vmem>>
    %dma_wait3A_987 = tpu.memref_squeeze %dma_wait3A_986 : memref<1x1600x32xf32, #tpu.memory_space<vmem>> -> memref<1600x32xf32, #tpu.memory_space<vmem>>
    %dma_wait3A_988 = arith.constant 0 : i32
    %dma_wait3A_989 = tpu.memref_slice %arg4[%add3A_981, %dma_wait3A_988] : memref<819200x32xf32, #tpu.memory_space<hbm>> -> memref<1600x32xf32, #tpu.memory_space<hbm>>
    %dma_wait3A_990 = tpu.memref_slice %arg8[%dma_wait3A_983] : memref<2x!tpu.dma_semaphore, #tpu.memory_space<semaphore_mem>> -> memref<1x!tpu.dma_semaphore, #tpu.memory_space<semaphore_mem>>
    %dma_wait3A_991 = tpu.memref_squeeze %dma_wait3A_990 : memref<1x!tpu.dma_semaphore, #tpu.memory_space<semaphore_mem>> -> memref<!tpu.dma_semaphore, #tpu.memory_space<semaphore_mem>>
    %dma_wait3A_992 = arith.constant 0 : i32
    %dma_wait3A_993 = tpu.memref_slice %arg4[%add3A_981, %dma_wait3A_992] : memref<819200x32xf32, #tpu.memory_space<hbm>> -> memref<1600x32xf32, #tpu.memory_space<hbm>>
    %dma_wait3A_994 = arith.constant 0 : i32
    %dma_wait3A_995 = arith.constant 0 : i32
    %dma_wait3A_996 = tpu.memref_slice %arg6[%dma_wait3A_982, %dma_wait3A_994, %dma_wait3A_995] : memref<2x1600x32xf32, #tpu.memory_space<vmem>> -> memref<1x1600x32xf32, #tpu.memory_space<vmem>>
    %dma_wait3A_997 = tpu.memref_squeeze %dma_wait3A_996 : memref<1x1600x32xf32, #tpu.memory_space<vmem>> -> memref<1600x32xf32, #tpu.memory_space<vmem>>
    tpu.wait_dma2 semaphore(%dma_wait3A_991 : memref<!tpu.dma_semaphore, #tpu.memory_space<semaphore_mem>>) src(%dma_wait3A_997 : memref<1600x32xf32, #tpu.memory_space<vmem>>) dst(%dma_wait3A_993 : memref<1600x32xf32, #tpu.memory_space<hbm>>)
    return
  }
}

module attributes {stable_mosaic.version = 14 : i64} {
  func.func @_fmt_body(%arg0: i32, %arg1: memref<32x1000000xf32, #tpu.memory_space<any>>, %arg2: memref<16x128xf32, #tpu.memory_space<any>>, %arg3: memref<250016x128xf32, #tpu.memory_space<any>>, %arg4: memref<2x32x4608xf32, #tpu.memory_space<vmem>>, %arg5: memref<2x1152x128xf32, #tpu.memory_space<vmem>>, %arg6: memref<2x!tpu.dma_semaphore, #tpu.memory_space<semaphore_mem>>, %arg7: memref<2x!tpu.dma_semaphore, #tpu.memory_space<semaphore_mem>>, %arg8: memref<!tpu.dma_semaphore, #tpu.memory_space<semaphore_mem>>) attributes {dimension_semantics = [#tpu.dimension_semantics<arbitrary>], iteration_bounds = array<i64: 217>, scalar_prefetch = 0 : i64, scratch_operands = 5 : i64, tpu.core_type = #tpu.core_type<tc>, window_params = [{}, {}, {}]} {
    %rem3A = arith.constant 2 : i32
    %rem3A_0 = arith.remsi %arg0, %rem3A : i32
    %add3A = arith.constant 1 : i32
    %add3A_1 = arith.addi %arg0, %add3A : i32
    %rem3A_2 = arith.constant 2 : i32
    %rem3A_3 = arith.remsi %add3A_1, %rem3A_2 : i32
    %eq3A = arith.constant 0 : i32
    %eq3A_4 = arith.cmpi eq, %arg0, %eq3A : i32
    %convert_element_type3A = arith.extui %eq3A_4 : i1 to i32
    %cond3A = arith.constant 0 : i32
    %cond3A_5 = arith.cmpi ne, %convert_element_type3A, %cond3A : i32
    scf.if %cond3A_5 {
      %dma_start3A_71 = arith.constant 0 : i32
      %dma_start3A_72 = arith.constant 0 : i32
      %dma_start3A_73 = tpu.memref_slice %arg6[%dma_start3A_72] : memref<2x!tpu.dma_semaphore, #tpu.memory_space<semaphore_mem>> -> memref<1x!tpu.dma_semaphore, #tpu.memory_space<semaphore_mem>>
      %dma_start3A_74 = tpu.memref_squeeze %dma_start3A_73 : memref<1x!tpu.dma_semaphore, #tpu.memory_space<semaphore_mem>> -> memref<!tpu.dma_semaphore, #tpu.memory_space<semaphore_mem>>
      %dma_start3A_75 = arith.constant 0 : i32
      %dma_start3A_76 = arith.constant 0 : i32
      %dma_start3A_77 = tpu.memref_slice %arg4[%dma_start3A_71, %dma_start3A_75, %dma_start3A_76] : memref<2x32x4608xf32, #tpu.memory_space<vmem>> -> memref<1x32x4608xf32, #tpu.memory_space<vmem>>
      %dma_start3A_78 = tpu.memref_squeeze %dma_start3A_77 : memref<1x32x4608xf32, #tpu.memory_space<vmem>> -> memref<32x4608xf32, #tpu.memory_space<vmem>>
      %dma_start3A_79 = arith.constant 0 : i32
      %dma_start3A_80 = arith.constant 0 : i32
      %dma_start3A_81 = tpu.memref_slice %arg1[%dma_start3A_79, %dma_start3A_80] : memref<32x1000000xf32, #tpu.memory_space<any>> -> memref<32x4608xf32, #tpu.memory_space<any>>
      tpu.enqueue_dma source(%dma_start3A_81 : memref<32x4608xf32, #tpu.memory_space<any>>) target(%dma_start3A_78 : memref<32x4608xf32, #tpu.memory_space<vmem>>) target_semaphore(%dma_start3A_74 : memref<!tpu.dma_semaphore, #tpu.memory_space<semaphore_mem>>)
    } else {
    }
    %add3A_6 = arith.constant 1 : i32
    %add3A_7 = arith.addi %arg0, %add3A_6 : i32
    %lt3A = arith.constant 217 : i32
    %lt3A_8 = arith.cmpi slt, %add3A_7, %lt3A : i32
    %convert_element_type3A_9 = arith.extui %lt3A_8 : i1 to i32
    %cond3A_10 = arith.constant 0 : i32
    %cond3A_11 = arith.cmpi ne, %convert_element_type3A_9, %cond3A_10 : i32
    scf.if %cond3A_11 {
      %add3A_71 = arith.constant 1 : i32
      %add3A_72 = arith.addi %arg0, %add3A_71 : i32
      %mul3A_73 = arith.constant 4608 : i32
      %mul3A_74 = arith.muli %add3A_72, %mul3A_73 : i32
      %dma_start3A_75 = tpu.memref_slice %arg6[%rem3A_3] : memref<2x!tpu.dma_semaphore, #tpu.memory_space<semaphore_mem>> -> memref<1x!tpu.dma_semaphore, #tpu.memory_space<semaphore_mem>>
      %dma_start3A_76 = tpu.memref_squeeze %dma_start3A_75 : memref<1x!tpu.dma_semaphore, #tpu.memory_space<semaphore_mem>> -> memref<!tpu.dma_semaphore, #tpu.memory_space<semaphore_mem>>
      %dma_start3A_77 = arith.constant 0 : i32
      %dma_start3A_78 = arith.constant 0 : i32
      %dma_start3A_79 = tpu.memref_slice %arg4[%rem3A_3, %dma_start3A_77, %dma_start3A_78] : memref<2x32x4608xf32, #tpu.memory_space<vmem>> -> memref<1x32x4608xf32, #tpu.memory_space<vmem>>
      %dma_start3A_80 = tpu.memref_squeeze %dma_start3A_79 : memref<1x32x4608xf32, #tpu.memory_space<vmem>> -> memref<32x4608xf32, #tpu.memory_space<vmem>>
      %dma_start3A_81 = arith.constant 0 : i32
      %dma_start3A_82 = tpu.memref_slice %arg1[%dma_start3A_81, %mul3A_74] : memref<32x1000000xf32, #tpu.memory_space<any>> -> memref<32x4608xf32, #tpu.memory_space<any>>
      tpu.enqueue_dma source(%dma_start3A_82 : memref<32x4608xf32, #tpu.memory_space<any>>) target(%dma_start3A_80 : memref<32x4608xf32, #tpu.memory_space<vmem>>) target_semaphore(%dma_start3A_76 : memref<!tpu.dma_semaphore, #tpu.memory_space<semaphore_mem>>)
    } else {
    }
    %mul3A = arith.constant 4608 : i32
    %mul3A_12 = arith.muli %arg0, %mul3A : i32
    %dma_wait3A = tpu.memref_slice %arg6[%rem3A_0] : memref<2x!tpu.dma_semaphore, #tpu.memory_space<semaphore_mem>> -> memref<1x!tpu.dma_semaphore, #tpu.memory_space<semaphore_mem>>
    %dma_wait3A_13 = tpu.memref_squeeze %dma_wait3A : memref<1x!tpu.dma_semaphore, #tpu.memory_space<semaphore_mem>> -> memref<!tpu.dma_semaphore, #tpu.memory_space<semaphore_mem>>
    %dma_wait3A_14 = arith.constant 0 : i32
    %dma_wait3A_15 = arith.constant 0 : i32
    %dma_wait3A_16 = tpu.memref_slice %arg4[%rem3A_0, %dma_wait3A_14, %dma_wait3A_15] : memref<2x32x4608xf32, #tpu.memory_space<vmem>> -> memref<1x32x4608xf32, #tpu.memory_space<vmem>>
    %dma_wait3A_17 = tpu.memref_squeeze %dma_wait3A_16 : memref<1x32x4608xf32, #tpu.memory_space<vmem>> -> memref<32x4608xf32, #tpu.memory_space<vmem>>
    %dma_wait3A_18 = arith.constant 0 : i32
    %dma_wait3A_19 = tpu.memref_slice %arg1[%dma_wait3A_18, %mul3A_12] : memref<32x1000000xf32, #tpu.memory_space<any>> -> memref<32x4608xf32, #tpu.memory_space<any>>
    tpu.wait_dma2 semaphore(%dma_wait3A_13 : memref<!tpu.dma_semaphore, #tpu.memory_space<semaphore_mem>>) src(%dma_wait3A_19 : memref<32x4608xf32, #tpu.memory_space<any>>) dst(%dma_wait3A_17 : memref<32x4608xf32, #tpu.memory_space<vmem>>)
    %ge3A = arith.constant 2 : i32
    %ge3A_20 = arith.cmpi sge, %arg0, %ge3A : i32
    %convert_element_type3A_21 = arith.extui %ge3A_20 : i1 to i32
    %cond3A_22 = arith.constant 0 : i32
    %cond3A_23 = arith.cmpi ne, %convert_element_type3A_21, %cond3A_22 : i32
    scf.if %cond3A_23 {
      %sub3A = arith.constant 2 : i32
      %sub3A_71 = arith.subi %arg0, %sub3A : i32
      %mul3A_72 = arith.constant 1152 : i32
      %mul3A_73 = arith.muli %sub3A_71, %mul3A_72 : i32
      %dma_wait3A_74 = tpu.memref_slice %arg7[%rem3A_0] : memref<2x!tpu.dma_semaphore, #tpu.memory_space<semaphore_mem>> -> memref<1x!tpu.dma_semaphore, #tpu.memory_space<semaphore_mem>>
      %dma_wait3A_75 = tpu.memref_squeeze %dma_wait3A_74 : memref<1x!tpu.dma_semaphore, #tpu.memory_space<semaphore_mem>> -> memref<!tpu.dma_semaphore, #tpu.memory_space<semaphore_mem>>
      %dma_wait3A_76 = arith.constant 0 : i32
      %dma_wait3A_77 = tpu.memref_slice %arg3[%mul3A_73, %dma_wait3A_76] : memref<250016x128xf32, #tpu.memory_space<any>> -> memref<1152x128xf32, #tpu.memory_space<any>>
      %dma_wait3A_78 = arith.constant 0 : i32
      %dma_wait3A_79 = arith.constant 0 : i32
      %dma_wait3A_80 = tpu.memref_slice %arg5[%rem3A_0, %dma_wait3A_78, %dma_wait3A_79] : memref<2x1152x128xf32, #tpu.memory_space<vmem>> -> memref<1x1152x128xf32, #tpu.memory_space<vmem>>
      %dma_wait3A_81 = tpu.memref_squeeze %dma_wait3A_80 : memref<1x1152x128xf32, #tpu.memory_space<vmem>> -> memref<1152x128xf32, #tpu.memory_space<vmem>>
      tpu.wait_dma2 semaphore(%dma_wait3A_75 : memref<!tpu.dma_semaphore, #tpu.memory_space<semaphore_mem>>) src(%dma_wait3A_81 : memref<1152x128xf32, #tpu.memory_space<vmem>>) dst(%dma_wait3A_77 : memref<1152x128xf32, #tpu.memory_space<any>>)
    } else {
    }
    %get3A = arith.index_cast %rem3A_0 : i32 to index
    %get3A_24 = arith.constant 0 : index
    %get3A_25 = arith.constant 0 : index
    %get3A_26 = vector.load %arg4[%get3A, %get3A_24, %get3A_25] : memref<2x32x4608xf32, #tpu.memory_space<vmem>>, vector<1x32x4608xf32>
    %get3A_27 = vector.shape_cast %get3A_26 : vector<1x32x4608xf32> to vector<32x4608xf32>
    %slice3A = vector.extract_strided_slice %get3A_27 {offsets = [0, 0], sizes = [32, 1152], strides = [1, 1]} : vector<32x4608xf32> to vector<32x1152xf32>
    %transpose3A = tpu.transpose %slice3A, [1, 0] : vector<32x1152xf32> -> vector<1152x32xf32>
    %swap3A = arith.index_cast %rem3A_0 : i32 to index
    %swap3A_28 = arith.constant 0 : index
    %swap3A_29 = arith.constant 0 : index
    %swap3A_30 = vector.load %arg5[%swap3A, %swap3A_28, %swap3A_29] : memref<2x1152x128xf32, #tpu.memory_space<vmem>>, vector<1x1152x32xf32>
    %swap3A_31 = vector.shape_cast %swap3A_30 : vector<1x1152x32xf32> to vector<1152x32xf32>
    %swap3A_32 = vector.shape_cast %transpose3A : vector<1152x32xf32> to vector<1x1152x32xf32>
    tpu.vector_store %arg5[%swap3A, %swap3A_28, %swap3A_29], %swap3A_32 {strides = array<i32>} : memref<2x1152x128xf32, #tpu.memory_space<vmem>>, vector<1x1152x32xf32>,
    %slice3A_33 = vector.extract_strided_slice %get3A_27 {offsets = [0, 1152], sizes = [32, 1152], strides = [1, 1]} : vector<32x4608xf32> to vector<32x1152xf32>
    %transpose3A_34 = tpu.transpose %slice3A_33, [1, 0] : vector<32x1152xf32> -> vector<1152x32xf32>
    %swap3A_35 = arith.index_cast %rem3A_0 : i32 to index
    %swap3A_36 = arith.constant 0 : index
    %swap3A_37 = arith.constant 32 : index
    %swap3A_38 = vector.load %arg5[%swap3A_35, %swap3A_36, %swap3A_37] : memref<2x1152x128xf32, #tpu.memory_space<vmem>>, vector<1x1152x32xf32>
    %swap3A_39 = vector.shape_cast %swap3A_38 : vector<1x1152x32xf32> to vector<1152x32xf32>
    %swap3A_40 = vector.shape_cast %transpose3A_34 : vector<1152x32xf32> to vector<1x1152x32xf32>
    tpu.vector_store %arg5[%swap3A_35, %swap3A_36, %swap3A_37], %swap3A_40 {strides = array<i32>} : memref<2x1152x128xf32, #tpu.memory_space<vmem>>, vector<1x1152x32xf32>,
    %slice3A_41 = vector.extract_strided_slice %get3A_27 {offsets = [0, 2304], sizes = [32, 1152], strides = [1, 1]} : vector<32x4608xf32> to vector<32x1152xf32>
    %transpose3A_42 = tpu.transpose %slice3A_41, [1, 0] : vector<32x1152xf32> -> vector<1152x32xf32>
    %swap3A_43 = arith.index_cast %rem3A_0 : i32 to index
    %swap3A_44 = arith.constant 0 : index
    %swap3A_45 = arith.constant 64 : index
    %swap3A_46 = vector.load %arg5[%swap3A_43, %swap3A_44, %swap3A_45] : memref<2x1152x128xf32, #tpu.memory_space<vmem>>, vector<1x1152x32xf32>
    %swap3A_47 = vector.shape_cast %swap3A_46 : vector<1x1152x32xf32> to vector<1152x32xf32>
    %swap3A_48 = vector.shape_cast %transpose3A_42 : vector<1152x32xf32> to vector<1x1152x32xf32>
    tpu.vector_store %arg5[%swap3A_43, %swap3A_44, %swap3A_45], %swap3A_48 {strides = array<i32>} : memref<2x1152x128xf32, #tpu.memory_space<vmem>>, vector<1x1152x32xf32>,
    %slice3A_49 = vector.extract_strided_slice %get3A_27 {offsets = [0, 3456], sizes = [32, 1152], strides = [1, 1]} : vector<32x4608xf32> to vector<32x1152xf32>
    %transpose3A_50 = tpu.transpose %slice3A_49, [1, 0] : vector<32x1152xf32> -> vector<1152x32xf32>
    %swap3A_51 = arith.index_cast %rem3A_0 : i32 to index
    %swap3A_52 = arith.constant 0 : index
    %swap3A_53 = arith.constant 96 : index
    %swap3A_54 = vector.load %arg5[%swap3A_51, %swap3A_52, %swap3A_53] : memref<2x1152x128xf32, #tpu.memory_space<vmem>>, vector<1x1152x32xf32>
    %swap3A_55 = vector.shape_cast %swap3A_54 : vector<1x1152x32xf32> to vector<1152x32xf32>
    %swap3A_56 = vector.shape_cast %transpose3A_50 : vector<1152x32xf32> to vector<1x1152x32xf32>
    tpu.vector_store %arg5[%swap3A_51, %swap3A_52, %swap3A_53], %swap3A_56 {strides = array<i32>} : memref<2x1152x128xf32, #tpu.memory_space<vmem>>, vector<1x1152x32xf32>,
    %mul3A_57 = arith.constant 1152 : i32
    %mul3A_58 = arith.muli %arg0, %mul3A_57 : i32
    %dma_start3A = tpu.memref_slice %arg7[%rem3A_0] : memref<2x!tpu.dma_semaphore, #tpu.memory_space<semaphore_mem>> -> memref<1x!tpu.dma_semaphore, #tpu.memory_space<semaphore_mem>>
    %dma_start3A_59 = tpu.memref_squeeze %dma_start3A : memref<1x!tpu.dma_semaphore, #tpu.memory_space<semaphore_mem>> -> memref<!tpu.dma_semaphore, #tpu.memory_space<semaphore_mem>>
    %dma_start3A_60 = arith.constant 0 : i32
    %dma_start3A_61 = tpu.memref_slice %arg3[%mul3A_58, %dma_start3A_60] : memref<250016x128xf32, #tpu.memory_space<any>> -> memref<1152x128xf32, #tpu.memory_space<any>>
    %dma_start3A_62 = arith.constant 0 : i32
    %dma_start3A_63 = arith.constant 0 : i32
    %dma_start3A_64 = tpu.memref_slice %arg5[%rem3A_0, %dma_start3A_62, %dma_start3A_63] : memref<2x1152x128xf32, #tpu.memory_space<vmem>> -> memref<1x1152x128xf32, #tpu.memory_space<vmem>>
    %dma_start3A_65 = tpu.memref_squeeze %dma_start3A_64 : memref<1x1152x128xf32, #tpu.memory_space<vmem>> -> memref<1152x128xf32, #tpu.memory_space<vmem>>
    tpu.enqueue_dma source(%dma_start3A_65 : memref<1152x128xf32, #tpu.memory_space<vmem>>) target(%dma_start3A_61 : memref<1152x128xf32, #tpu.memory_space<any>>) target_semaphore(%dma_start3A_59 : memref<!tpu.dma_semaphore, #tpu.memory_space<semaphore_mem>>)
    %eq3A_66 = arith.constant 216 : i32
    %eq3A_67 = arith.cmpi eq, %arg0, %eq3A_66 : i32
    %convert_element_type3A_68 = arith.extui %eq3A_67 : i1 to i32
    %cond3A_69 = arith.constant 0 : i32
    %cond3A_70 = arith.cmpi ne, %convert_element_type3A_68, %cond3A_69 : i32
    scf.if %cond3A_70 {
      %dma_start3A_71 = arith.constant 249984 : i32
      %dma_start3A_72 = arith.constant 0 : i32
      %dma_start3A_73 = tpu.memref_slice %arg3[%dma_start3A_71, %dma_start3A_72] : memref<250016x128xf32, #tpu.memory_space<any>> -> memref<16x128xf32, #tpu.memory_space<any>>
      tpu.enqueue_dma source(%arg2 : memref<16x128xf32, #tpu.memory_space<any>>) target(%dma_start3A_73 : memref<16x128xf32, #tpu.memory_space<any>>) target_semaphore(%arg8 : memref<!tpu.dma_semaphore, #tpu.memory_space<semaphore_mem>>)
      %dma_wait3A_74 = tpu.memref_slice %arg7[%rem3A_3] : memref<2x!tpu.dma_semaphore, #tpu.memory_space<semaphore_mem>> -> memref<1x!tpu.dma_semaphore, #tpu.memory_space<semaphore_mem>>
      %dma_wait3A_75 = tpu.memref_squeeze %dma_wait3A_74 : memref<1x!tpu.dma_semaphore, #tpu.memory_space<semaphore_mem>> -> memref<!tpu.dma_semaphore, #tpu.memory_space<semaphore_mem>>
      %dma_wait3A_76 = arith.constant 247680 : i32
      %dma_wait3A_77 = arith.constant 0 : i32
      %dma_wait3A_78 = tpu.memref_slice %arg3[%dma_wait3A_76, %dma_wait3A_77] : memref<250016x128xf32, #tpu.memory_space<any>> -> memref<1152x128xf32, #tpu.memory_space<any>>
      %dma_wait3A_79 = arith.constant 0 : i32
      %dma_wait3A_80 = arith.constant 0 : i32
      %dma_wait3A_81 = tpu.memref_slice %arg5[%rem3A_3, %dma_wait3A_79, %dma_wait3A_80] : memref<2x1152x128xf32, #tpu.memory_space<vmem>> -> memref<1x1152x128xf32, #tpu.memory_space<vmem>>
      %dma_wait3A_82 = tpu.memref_squeeze %dma_wait3A_81 : memref<1x1152x128xf32, #tpu.memory_space<vmem>> -> memref<1152x128xf32, #tpu.memory_space<vmem>>
      tpu.wait_dma2 semaphore(%dma_wait3A_75 : memref<!tpu.dma_semaphore, #tpu.memory_space<semaphore_mem>>) src(%dma_wait3A_82 : memref<1152x128xf32, #tpu.memory_space<vmem>>) dst(%dma_wait3A_78 : memref<1152x128xf32, #tpu.memory_space<any>>)
      %dma_wait3A_83 = tpu.memref_slice %arg7[%rem3A_0] : memref<2x!tpu.dma_semaphore, #tpu.memory_space<semaphore_mem>> -> memref<1x!tpu.dma_semaphore, #tpu.memory_space<semaphore_mem>>
      %dma_wait3A_84 = tpu.memref_squeeze %dma_wait3A_83 : memref<1x!tpu.dma_semaphore, #tpu.memory_space<semaphore_mem>> -> memref<!tpu.dma_semaphore, #tpu.memory_space<semaphore_mem>>
      %dma_wait3A_85 = arith.constant 248832 : i32
      %dma_wait3A_86 = arith.constant 0 : i32
      %dma_wait3A_87 = tpu.memref_slice %arg3[%dma_wait3A_85, %dma_wait3A_86] : memref<250016x128xf32, #tpu.memory_space<any>> -> memref<1152x128xf32, #tpu.memory_space<any>>
      %dma_wait3A_88 = arith.constant 0 : i32
      %dma_wait3A_89 = arith.constant 0 : i32
      %dma_wait3A_90 = tpu.memref_slice %arg5[%rem3A_0, %dma_wait3A_88, %dma_wait3A_89] : memref<2x1152x128xf32, #tpu.memory_space<vmem>> -> memref<1x1152x128xf32, #tpu.memory_space<vmem>>
      %dma_wait3A_91 = tpu.memref_squeeze %dma_wait3A_90 : memref<1x1152x128xf32, #tpu.memory_space<vmem>> -> memref<1152x128xf32, #tpu.memory_space<vmem>>
      tpu.wait_dma2 semaphore(%dma_wait3A_84 : memref<!tpu.dma_semaphore, #tpu.memory_space<semaphore_mem>>) src(%dma_wait3A_91 : memref<1152x128xf32, #tpu.memory_space<vmem>>) dst(%dma_wait3A_87 : memref<1152x128xf32, #tpu.memory_space<any>>)
      %dma_wait3A_92 = arith.constant 249984 : i32
      %dma_wait3A_93 = arith.constant 0 : i32
      %dma_wait3A_94 = tpu.memref_slice %arg3[%dma_wait3A_92, %dma_wait3A_93] : memref<250016x128xf32, #tpu.memory_space<any>> -> memref<16x128xf32, #tpu.memory_space<any>>
      tpu.wait_dma2 semaphore(%arg8 : memref<!tpu.dma_semaphore, #tpu.memory_space<semaphore_mem>>) src(%arg2 : memref<16x128xf32, #tpu.memory_space<any>>) dst(%dma_wait3A_94 : memref<16x128xf32, #tpu.memory_space<any>>)
    } else {
    }
    return
  }
}

</mosaic_0001>

<sc_bundles>
// kernel: kernel.4.cloned.1.call-start
scs
__scs_entry_jumppad:
0x0: {  	(pc) =	sbr.rel $0x88, $3  }
0x1: {  	(tag) =	ssettag $0x0;
	lr =	simm.s32 $0x1  }
0x2: {  	[smem:$0x3F9F] =	sst lr;
	_ =	strace $0xD0000000  }
0x3: {  	_ = 	snop  }
0x4: {  	_ = 	snop  }
0x5: {  	_ = 	snop  }
0x6: {  	_ = 	snop  }
0x7: {  	_ = 	snop  }
__scs_overlays_trampoline_lowered:
0x8: {  	[smem:$0x3FAE] =	sst s0  }
0x9: {  	[smem:$0x3FAF] =	sst s1  }
0xa: {  	[smem:$0x3FB0] =	sst s2  }
0xb: {  	[smem:$0x3FB1] =	sst s3  }
0xc: {  	[smem:$0x3FB2] =	sst s4  }
0xd: {  	[smem:$0x3FB3] =	sst s5  }
0xe: {  	[smem:$0x3FB4] =	sst s6  }
0xf: {  	[smem:$0x3FB5] =	sst s7  }
0x10: {  	[smem:$0x3FB6] =	sst s8  }
0x11: {  	[smem:$0x3FB7] =	sst s9;
	s0 =	simm.s32 @!p0 $0x0  }
0x12: {  	s1 =	sld [smem:$0x3F9D];
	s0 =	simm.s32 @p0 $0x1  }
0x13: {  	[smem:$0x3FB8] =	sst s0;
	s0 =	simm.s32 @!p1 $0x0  }
0x14: {  	s2 =	sld [smem:$0x3F9C];
	s0 =	simm.s32 @p1 $0x1  }
0x15: {  	[smem:$0x3FB9] =	sst s0;
	s0 =	simm.s32 @!p2 $0x0  }
0x16: {  	s3 =	sld [smem:$0x3FDB];
	s0 =	simm.s32 @p2 $0x1  }
0x17: {  	s4 =	simm.s32 $0x1BF5;
	[smem:$0x3FBB] =	sst s0  }
0x18: {  	s0 =	sld [smem:$0x3F9E];
	_ =	swait.ge [sflag:s4], $0x0  }
0x19: {  	s7 =	sld [smem:$0x3F9F]  }
0x1a: {  	s8 =	sadd.s32 $0xFFFFE003, lr  }
0x1b: {  	s9 =	sadd.s32 $0xFFFFFEF7, lr;
	s5 =	simm.s32 $0xFFFFFFFF;
	p2 =	slt.u32 s8, $0xFFFFF086  }
0x1c: {  	p1 =	slt.u32 s9, $0xF7A;
	s5 =	simm.s32 @!p2 $0x0  }
0x1d: {  	s5 =	simm.s32 @p1 $0x1;
	p0 =	seq.s32 s7, s2  }
0x1e: {  	s7 =	smul.u32 @!p0 $0xF7A, s2;
	p2 =	seq.s32 @!p0 s5, $0x0  }
0x1f: {  	s9 =	smul.u32 $0xF7A, s1;
	s8 =	simm.s32 @!p0 $0x1BF5;
	p2 =	por !p2, p0  }
0x20: {  	[sflag:s8] =	ssyncset.s32 @!p0 $0xFFFFF086;
	s6 =	sadd.s32 @!p0 s3, s7;
	s7 =	simm.s32 @!p0 $0x108  }
0x21: {  	s3 =	sadd.s32 s3, s9;
	s6 =	sadd.s32 @!p0 $0x88, s6;
	s7 =	simm.s32 @p2 $0x1082  }
0x22: {  	[simem:s7], [sflag:s8] =	dma.local @!p0 [hbm:s6], $0xF7A  }
0x23: {  	s9 =	sor.u32 $0xD0000000, s2;
	s6 =	simm.s32 $0x108;
	_ =	swait.ge @!p0 [sflag:s8], $0x0  }
0x24: {  	s3 =	sadd.s32 $0x88, s3;
	s6 =	simm.s32 @!p1 $0x1082;
	[sflag:s4] =	ssyncset.s32 $0xFFFFF086  }
0x25: {  	[simem:s6], [sflag:s4] =	dma.local [hbm:s3], $0xF7A  }
0x26: {  	[smem:$0x3F9F] =	sst s1;
	(tag) =	ssettag s2;
	_ =	strace s9  }
0x27: {  	s1 =	sld [smem:$0x3FAF]  }
0x28: {  	s2 =	sld [smem:$0x3FB0]  }
0x29: {  	s4 =	sld [smem:$0x3FB2]  }
0x2a: {  	p0 =	seq.s32 s5, $0x0;
	s5 =	sld [smem:$0x3FB3]  }
0x2b: {  	s6 =	sld [smem:$0x3FB4]  }
0x2c: {  	s7 =	sld [smem:$0x3FB5]  }
0x2d: {  	s3 =	simm.s32 $0x108;
	s8 =	sld [smem:$0x3FB6]  }
0x2e: {  	s3 =	simm.s32 @!p0 $0x1082;
	s9 =	sld [smem:$0x3FB7]  }
0x2f: {  	lr =	sadd.s32 s0, s3;
	s0 =	sld [smem:$0x3FAE]  }
0x30: {  	s3 =	sld [smem:$0x3FB1]  }
0x31: {  	[smem:$0x3FBA] =	sst s10  }
0x32: {  	s10 =	sld [smem:$0x3FB8];
	_ =	sdelay $0x3  }
0x33: {  	p0 =	seq.s32 s10, $0x1;
	s10 =	sld [smem:$0x3FBA];
	_ =	sdelay $0x3  }
0x34: {  	[smem:$0x3FBA] =	sst s10  }
0x35: {  	s10 =	sld [smem:$0x3FB9];
	_ =	sdelay $0x3  }
0x36: {  	p1 =	seq.s32 s10, $0x1;
	s10 =	sld [smem:$0x3FBA];
	_ =	sdelay $0x3  }
0x37: {  	[smem:$0x3FBA] =	sst s10  }
0x38: {  	s10 =	sld [smem:$0x3FBB]  }
0x39: {  	_ = 	snop;
	(pc) =	sbr.ind lr, $3  }
0x3a: {  	_ = 	snop  }
0x3b: {  	_ = 	snop  }
0x3c: {  	p2 =	seq.s32 s10, $0x1;
	s10 =	sld [smem:$0x3FBA]  }
0x3d: {  	_ =	shalt  }
0x3e: {  	_ =	shalt  }
0x3f: {  	_ =	shalt  }
0x40: {  	_ =	shalt  }
0x41: {  	_ =	shalt  }
0x42: {  	_ =	shalt  }
0x43: {  	_ =	shalt  }
0x44: {  	_ =	shalt  }
0x45: {  	_ =	shalt  }
0x46: {  	_ =	shalt  }
0x47: {  	_ =	shalt  }
0x48: {  	_ =	shalt  }
0x49: {  	_ =	shalt  }
0x4a: {  	_ =	shalt  }
0x4b: {  	_ =	shalt  }
0x4c: {  	_ =	shalt  }
0x4d: {  	_ =	shalt  }
0x4e: {  	_ =	shalt  }
0x4f: {  	_ =	shalt  }
0x50: {  	_ =	shalt  }
0x51: {  	_ =	shalt  }
0x52: {  	_ =	shalt  }
0x53: {  	_ =	shalt  }
0x54: {  	_ =	shalt  }
0x55: {  	_ =	shalt  }
0x56: {  	_ =	shalt  }
0x57: {  	_ =	shalt  }
0x58: {  	_ =	shalt  }
0x59: {  	_ =	shalt  }
0x5a: {  	_ =	shalt  }
0x5b: {  	_ =	shalt  }
0x5c: {  	_ =	shalt  }
0x5d: {  	_ =	shalt  }
0x5e: {  	_ =	shalt  }
0x5f: {  	_ =	shalt  }
0x60: {  	_ =	shalt  }
0x61: {  	_ =	shalt  }
0x62: {  	_ =	shalt  }
0x63: {  	_ =	shalt  }
0x64: {  	_ =	shalt  }
0x65: {  	_ =	shalt  }
0x66: {  	_ =	shalt  }
0x67: {  	_ =	shalt  }
0x68: {  	_ =	shalt  }
0x69: {  	_ =	shalt  }
0x6a: {  	_ =	shalt  }
0x6b: {  	_ =	shalt  }
0x6c: {  	_ =	shalt  }
0x6d: {  	_ =	shalt  }
0x6e: {  	_ =	shalt  }
0x6f: {  	_ =	shalt  }
0x70: {  	_ =	shalt  }
0x71: {  	_ =	shalt  }
0x72: {  	_ =	shalt  }
0x73: {  	_ =	shalt  }
0x74: {  	_ =	shalt  }
0x75: {  	_ =	shalt  }
0x76: {  	_ =	shalt  }
0x77: {  	_ =	shalt  }
0x78: {  	_ =	shalt  }
0x79: {  	_ =	shalt  }
0x7a: {  	_ =	shalt  }
0x7b: {  	_ =	shalt  }
0x7c: {  	_ =	shalt  }
0x7d: {  	_ =	shalt  }
0x7e: {  	_ =	shalt  }
0x7f: {  	_ =	shalt  }
0x80: {  	_ =	shalt  }
0x81: {  	_ =	shalt  }
0x82: {  	_ =	shalt  }
0x83: {  	_ =	shalt  }
0x84: {  	_ =	shalt  }
0x85: {  	_ =	shalt  }
0x86: {  	_ =	shalt  }
0x87: {  	_ =	shalt  }
.Lfunc_end0:
.L_simem_size_0:
called_computation.1_lowered:
.L_overlay_start_0:
0x88: {  	s2 =	sld [smem:$0x3FD9]  }
0x89: {  	s3 =	sld [smem:$0x3FFE];
	_ =	sdelay $0x1  }
0x8a: {  	s1 =	srdreg.scid  }
0x8b: {  	s0 =	sand.u32 $0x1, s1  }
0x8c: {  	s17 =	sshll.u32 s0, $0xA;
	s2 =	sadd.s32 s3, s2  }
0x8d: {  	s2 =	sadd.s32 s2, s17  }
0x8e: {  	[smem:$0x3FC6] =	sst s2  }
0x8f: {  	_ = 	snop  }
0x90: {  	s2 =	sld [smem:$0x3FD0];
	(tm) =	ssettm $0x1  }
0x91: {  	s18 =	sld [smem:$0x3FFB];
	_ =	sdelay $0x3  }
0x92: {  	_ =	strace s18  }
0x93: {  	s3 =	sld [smem:$0x3FFC];
	_ =	sdelay $0x3  }
0x94: {  	_ =	strace s3  }
0x95: {  	s3 =	sld [smem:$0x3FFD];
	_ =	sdelay $0x3  }
0x96: {  	_ =	strace s3  }
0x97: {  	_ =	strace $0x8FFFFFFF  }
0x98: {  	s19 =	sld [smem:$0x3FDB];
	_ =	sdelay $0x1  }
0x99: {  	s4 =	simm.s32 $_scs_section_size  }
0x9a: {  	s5 =	simm.s32 $_size__tile_overlayer_lowered;
	s6 =	simm.s32 $_tile_overlayer_lowered  }
0x9b: {  	s22 =	simm.s32 $0x1BFF;
	s21 =	sshll.u32 s6, $0x1;
	s3 =	sadd.s32 s4, s19  }
0x9c: {  	s7 =	simm.s32 $0x0;
	s20 =	sshll.u32 s5, $0x1;
	s5 =	sadd.s32 s21, s3  }
0x9d: {  	[timem:s7], [sflag:s22] =	dma.local [hbm:s5], s20  }
0x9e: {  	_ =	swait.ge [sflag:s22], s20  }
0x9f: {  	s4 =	ssub.s32 $0x0, s20;
	[sflag:s22] =	ssyncset.done $0x0  }
0xa0: {  	[sflag:s22] =	ssyncadd.s32 s4;
	_ =	sdelay $0x1  }
0xa1: {  	s23 =	simm.s32 $0x1B8B  }
0xa2: {  	_ =	swait.ge [sflag:s23], $0x1  }
0xa3: {  	[sflag:s23] =	ssyncset.done $0x0  }
0xa4: {  	s25 =	simm.s32 $0x1B8E;
	s24 =	sld [smem:$0x3FFE];
	[sflag:s23] =	ssyncadd.s32 $0xFFFFFFFF  }
0xa5: {  	s26 =	simm.s32 $execute0_lowered;
	[smem:$0x3FD2] =	sst s25  }
0xa6: {  	s5 =	sshll.u32 s26, $0x1;
	_ =	strace $0x80000046;
	[dreg:$0x1] =	wrdreg $0xFFFFFFFF  }
0xa7: {  	s28 =	simm.s32 $_size_execute0_lowered;
	s3 =	sadd.s32 s3, s5;
	[dreg:$0x0] =	wrdreg $0x0  }
0xa8: {  	s5 =	sshll.u32 s28, $0x1;
	[dreg:$0x2] =	wrdreg s3  }
0xa9: {  	[dreg:$0x3] =	wrdreg s5  }
0xaa: {  	[dreg:$0x4] =	wrdreg $0xC0  }
0xab: {  	_ =	task [dreg:s7], $0x5FFFF  }
0xac: {  	[dreg:$0x1] =	wrdreg $0xFFFFFFFF  }
0xad: {  	[dreg:$0x0] =	wrdreg $0x60  }
0xae: {  	[dreg:$0x2] =	wrdreg s24  }
0xaf: {  	[dreg:$0x3] =	wrdreg s2  }
0xb0: {  	[dreg:$0x4] =	wrdreg $0x9  }
0xb1: {  	_ =	task.clear_ibuf [dreg:s7], $0x5FFFF;
	_ =	strace $0x90000046  }
0xb2: {  	s29 =	simm.s32 $0x9;
	_ =	strace $0x80000048  }
0xb3: {  	_ =	swait.ge [sflag:s29], $0x1  }
0xb4: {  	[sflag:s29] =	ssyncadd.s32 $0xFFFFFFFF  }
0xb5: {  	_ =	strace $0x90000048  }
0xb6: {  	_ =	sfence  }
0xb7: {  	s30 =	sld [smem:$0x0];
	_ =	sdelay $0x2  }
0xb8: {  	s31 =	sshll.u32 s1, $0xD;
	s1 =	sshrl.u32 s1, $0x2  }
0xb9: {  	s3 =	sand.u32 $0x4000, s31;
	s1 =	sadd.s32 s1, s30  }
0xba: {  	s0 =	sor.u32 s3, s0;
	s1 =	sshll.u32 s1, $0x11  }
0xbb: {  	s0 =	sor.u32 s1, s0  }
0xbc: {  	s0 =	sadd.s32 $0x8F2B, s0  }
0xbd: {  	[sflag:s0] =	ssyncadd.remote.s32 $0x1  }
0xbe: {  	_ =	sfence.sel $0xFFFF  }
0xbf: {  	[dreg:$0x0] =	wrdreg $0xFFFFFFFF;
	(pc) =	sbr.abs _section_cstart, $3  }
0xc0: {  	[dreg:$0x1] =	wrdreg $0xFFFFFFFF  }
0xc1: {  	_ =	task.clear_ibuf [dreg:s7], $0x2FFFF;
	_ =	strace $0x9FFFFFFF  }
0xc2: {  	(tm) =	ssettm $0x7FFFFFFF  }
0xc3: {  	_ =	shalt  }
tec
execute0_lowered:
.L_overlay_start_1:
0x0: {  	(tag) =	ssettag $0x1  }
0x1: {  	s0 =	rddreg [dreg:$0x0];
	s1 =	srdreg.scid  }
0x2: {  	s2 =	stileid.u32;
	s6 =	rddreg [dreg:$0x1];
	s22 =	simm.s32 $0x5  }
0x3: {  	s23 =	simm.s32 $0x640;
	s24 =	simm.s32 $0x6400;
	s25 =	simm.s32 $0x1  }
0x4: {  	s28 =	simm.s32 $0x2;
	s1 =	sand.u32 $0x1, s1;
	s3 =	sshll.u32 s2, $0x1  }
0x5: {  	s29 =	simm.s32 $0x3;
	s2 =	simm.s32 $0x0;
	s3 =	sor.u32 s1, s3  }
0x6: {  	s31 =	simm.s32 $0x4;
	[smem:$0x7FF] =	sst s2;
	s4 =	smul.u32 $0xC80, s3  }
0x7: {  	s1 =	ssub.s32 $0x2, s1;
	_ =	strace $0x80000047;
	s5 =	smul.u32 $0xC8000, s3  }
0x8: {  	s7 =	sshrl.u32 s1, $0x1;
	s8 =	smul.u32 $0x19000, s3;
	s3 =	sadd.s32 $0x19800, s0  }
0x9: {  	s26 =	ssub.s32 s1, s7;
	s4 =	sadd.s32 s4, s0;
	s30 =	sshrl.u32 s5, $0x3  }
0xa: {  	s5 =	sadd.s32 s6, s8;
	s21 =	smax.u32 s26, $0x1;
	s26 =	simm.s32 $0x12C00  }
0xb: {  	s0 =	simm.s32 $0x0;
	s4 =	sadd.s32 $0x800, s4;
	s1 =	sadd.s32 s6, s30  }
0xc: {  	s6 =	sadd.s32 $0x1900, s1;
	s7 =	sadd.s32 $0x3200, s1;
	s8 =	sadd.s32 $0x4B00, s1  }
0xd: {  	s9 =	sadd.s32 $0x6400, s1;
	s10 =	sadd.s32 $0x7D00, s1;
	s11 =	sadd.s32 $0x9600, s1  }
0xe: {  	s12 =	sadd.s32 $0xAF00, s1;
	s13 =	sadd.s32 $0xC800, s1;
	s14 =	sadd.s32 $0xE100, s1  }
0xf: {  	s15 =	sadd.s32 $0xFA00, s1;
	s16 =	sadd.s32 $0x11300, s1;
	s17 =	sadd.s32 $0x12C00, s1  }
0x10: {  	s18 =	sadd.s32 $0x14500, s1;
	s19 =	sadd.s32 $0x15E00, s1;
	s20 =	sadd.s32 $0x17700, s1  }
.LBB2_1:
0x11: {  	[tilespmem:s2], [sflag:$0x5] =	stream.linear.gather [hbm4b:s4+s2], $0x6400, $0x38;
	[tilespmem:$0x1F400] =	vst v63  }
0x12: {  	_ =	swait.ge [sflag:s22], $0x6400  }
0x13: {  	[sflag:s22] =	ssyncset.done $0x0  }
0x14: {  	s30 =	simm.s32 $0x0;
	s1 =	simm.s32 $0x40;
	[sflag:s22] =	ssyncadd.s32 $0xFFFF9C00  }
.LBB2_2:
0x15: {  	p0 =	sne.s32 s1, $0x18FC0;
	v0 =	vld [tilespmem:s30+$0x0];
	_ =	sdelay $0x4  }
0x16: {  	v1 =	vshra.s32 v0, $0x9  }
0x17: {  	v1 =	vmul.u32 $0x1C72, v1;
	_ =	sdelay $0x1  }
0x18: {  	v1 =	vshra.s32 v1, $0x10  }
0x19: {  	v2 =	vmul.u32 $0xFFFFEE00, v1;
	_ =	sdelay $0x1  }
0x1a: {  	v2 =	vadd.s32 v0, v2  }
0x1b: {  	v3 =	vshra.s32 v2, $0x7  }
0x1c: {  	v3 =	vmul.u32 $0x1C72, v3;
	_ =	sdelay $0x1  }
0x1d: {  	v1 =	vmul.u32 $0x480, v1;
	v3 =	vshra.s32 v3, $0x10  }
0x1e: {  	v4 =	vmul.u32 $0x3FFFFB80, v3  }
0x1f: {  	v1 =	vadd.s32 v1, v2  }
.Ltmp0:
0x20: {  	v1 =	vadd.s32 v4, v1;
	(pc) =	sbr.rel @p0 .LBB2_2-.Ltmp0, $4  }
0x21: {  	v1 =	vshll.u32 v1, $0x2  }
0x22: {  	vm0 =	vgt.s32 v0, $0xF41FF;
	v1 =	vadd.s32 v3, v1  }
0x23: {  	v0 =	vsel vm0, v0, v1  }
0x24: {  	[tilespmem:s30+$0x0] =	vst v0;
	s30 =	sshra.s32 s1, $0x2;
	s1 =	sadd.s32 $0x40, s1  }
0x25: {  	v0 =	vld [tilespmem:s30+$0x0];
	_ =	sdelay $0x4  }
0x26: {  	v1 =	vshra.s32 v0, $0x9  }
0x27: {  	v1 =	vmul.u32 $0x1C72, v1;
	_ =	sdelay $0x1  }
0x28: {  	v1 =	vshra.s32 v1, $0x10  }
0x29: {  	v2 =	vmul.u32 $0xFFFFEE00, v1;
	_ =	sdelay $0x1  }
0x2a: {  	v2 =	vadd.s32 v0, v2  }
0x2b: {  	v3 =	vshra.s32 v2, $0x7  }
0x2c: {  	v3 =	vmul.u32 $0x1C72, v3;
	_ =	sdelay $0x1  }
0x2d: {  	v1 =	vmul.u32 $0x480, v1;
	v3 =	vshra.s32 v3, $0x10  }
0x2e: {  	v4 =	vmul.u32 $0x3FFFFB80, v3  }
0x2f: {  	v1 =	vadd.s32 v1, v2  }
0x30: {  	v1 =	vadd.s32 v4, v1  }
0x31: {  	v1 =	vshll.u32 v1, $0x2  }
0x32: {  	vm0 =	vgt.s32 v0, $0xF41FF;
	v1 =	vadd.s32 v3, v1  }
0x33: {  	v0 =	vsel vm0, v0, v1  }
0x34: {  	[tilespmem:s30+$0x0] =	vst v0  }
0x35: {  	[tilespmem:s24], [sflag:$0x1] =	stream.indirect.gather [hbm4b:s3+s23], $0x20, s2, s23, $0xb8;
	[tilespmem:$0x1F400] =	vst v63  }
0x36: {  	_ =	swait.ge [sflag:s25], $0xC800  }
0x37: {  	[sflag:s25] =	ssyncset.done $0x0  }
0x38: {  	[sflag:s25] =	ssyncadd.s32 $0xFFFF3800  }
0x39: {  	[tilespmem:s26], [sflag:$0x2] =	stream.indirect.gather [hbm4b:s3+s23], $0x20, s23, s23, $0xb8;
	[tilespmem:$0x1F400] =	vst v63  }
0x3a: {  	_ = 	snop  }
0x3b: {  	[hbm4b:s5+s2] =	stream.linear.scatter [tilespmem:s24], [sflag:$0x3], $0xC800, $0x38;
	[tilespmem:$0x1F400] =	vst v63  }
0x3c: {  	_ =	swait.ge [sflag:s28], $0xC800  }
0x3d: {  	[sflag:s28] =	ssyncset.done $0x0  }
0x3e: {  	[sflag:s28] =	ssyncadd.s32 $0xFFFF3800  }
0x3f: {  	_ =	swait.ge [sflag:s29], $0xC800  }
0x40: {  	[sflag:s29] =	ssyncset.done $0x0  }
0x41: {  	s1 =	simm.s32 $0xC80;
	[sflag:s29] =	ssyncadd.s32 $0xFFFF3800  }
0x42: {  	[tilespmem:s24], [sflag:$0x1] =	stream.indirect.gather [hbm4b:s3+s23], $0x20, s1, s23, $0xb8;
	[tilespmem:$0x1F400] =	vst v63  }
0x43: {  	_ = 	snop  }
0x44: {  	[hbm4b:s6+s2] =	stream.linear.scatter [tilespmem:s26], [sflag:$0x4], $0xC800, $0x38;
	[tilespmem:$0x1F400] =	vst v63  }
0x45: {  	_ =	swait.ge [sflag:s25], $0xC800  }
0x46: {  	[sflag:s25] =	ssyncset.done $0x0  }
0x47: {  	[sflag:s25] =	ssyncadd.s32 $0xFFFF3800  }
0x48: {  	_ =	swait.ge [sflag:s31], $0xC800  }
0x49: {  	[sflag:s31] =	ssyncset.done $0x0  }
0x4a: {  	s30 =	simm.s32 $0x12C0;
	[sflag:s31] =	ssyncadd.s32 $0xFFFF3800  }
0x4b: {  	[tilespmem:s26], [sflag:$0x2] =	stream.indirect.gather [hbm4b:s3+s23], $0x20, s30, s23, $0xb8;
	[tilespmem:$0x1F400] =	vst v63  }
0x4c: {  	_ = 	snop  }
0x4d: {  	[hbm4b:s7+s2] =	stream.linear.scatter [tilespmem:s24], [sflag:$0x3], $0xC800, $0x38;
	[tilespmem:$0x1F400] =	vst v63  }
0x4e: {  	_ =	swait.ge [sflag:s28], $0xC800  }
0x4f: {  	[sflag:s28] =	ssyncset.done $0x0  }
0x50: {  	[sflag:s28] =	ssyncadd.s32 $0xFFFF3800  }
0x51: {  	_ =	swait.ge [sflag:s29], $0xC800  }
0x52: {  	[sflag:s29] =	ssyncset.done $0x0  }
0x53: {  	s30 =	simm.s32 $0x1900;
	[sflag:s29] =	ssyncadd.s32 $0xFFFF3800  }
0x54: {  	[tilespmem:s24], [sflag:$0x1] =	stream.indirect.gather [hbm4b:s3+s23], $0x20, s30, s23, $0xb8;
	[tilespmem:$0x1F400] =	vst v63  }
0x55: {  	_ = 	snop  }
0x56: {  	[hbm4b:s8+s2] =	stream.linear.scatter [tilespmem:s26], [sflag:$0x4], $0xC800, $0x38;
	[tilespmem:$0x1F400] =	vst v63  }
0x57: {  	_ =	swait.ge [sflag:s25], $0xC800  }
0x58: {  	[sflag:s25] =	ssyncset.done $0x0  }
0x59: {  	[sflag:s25] =	ssyncadd.s32 $0xFFFF3800  }
0x5a: {  	_ =	swait.ge [sflag:s31], $0xC800  }
0x5b: {  	[sflag:s31] =	ssyncset.done $0x0  }
0x5c: {  	s30 =	simm.s32 $0x1F40;
	[sflag:s31] =	ssyncadd.s32 $0xFFFF3800  }
0x5d: {  	[tilespmem:s26], [sflag:$0x2] =	stream.indirect.gather [hbm4b:s3+s23], $0x20, s30, s23, $0xb8;
	[tilespmem:$0x1F400] =	vst v63  }
0x5e: {  	_ = 	snop  }
0x5f: {  	[hbm4b:s9+s2] =	stream.linear.scatter [tilespmem:s24], [sflag:$0x3], $0xC800, $0x38;
	[tilespmem:$0x1F400] =	vst v63  }
0x60: {  	_ =	swait.ge [sflag:s28], $0xC800  }
0x61: {  	[sflag:s28] =	ssyncset.done $0x0  }
0x62: {  	[sflag:s28] =	ssyncadd.s32 $0xFFFF3800  }
0x63: {  	_ =	swait.ge [sflag:s29], $0xC800  }
0x64: {  	[sflag:s29] =	ssyncset.done $0x0  }
0x65: {  	s30 =	simm.s32 $0x2580;
	[sflag:s29] =	ssyncadd.s32 $0xFFFF3800  }
0x66: {  	[tilespmem:s24], [sflag:$0x1] =	stream.indirect.gather [hbm4b:s3+s23], $0x20, s30, s23, $0xb8;
	[tilespmem:$0x1F400] =	vst v63  }
0x67: {  	_ = 	snop  }
0x68: {  	[hbm4b:s10+s2] =	stream.linear.scatter [tilespmem:s26], [sflag:$0x4], $0xC800, $0x38;
	[tilespmem:$0x1F400] =	vst v63  }
0x69: {  	_ =	swait.ge [sflag:s25], $0xC800  }
0x6a: {  	[sflag:s25] =	ssyncset.done $0x0  }
0x6b: {  	[sflag:s25] =	ssyncadd.s32 $0xFFFF3800  }
0x6c: {  	_ =	swait.ge [sflag:s31], $0xC800  }
0x6d: {  	[sflag:s31] =	ssyncset.done $0x0  }
0x6e: {  	s30 =	simm.s32 $0x2BC0;
	[sflag:s31] =	ssyncadd.s32 $0xFFFF3800  }
0x6f: {  	[tilespmem:s26], [sflag:$0x2] =	stream.indirect.gather [hbm4b:s3+s23], $0x20, s30, s23, $0xb8;
	[tilespmem:$0x1F400] =	vst v63  }
0x70: {  	_ = 	snop  }
0x71: {  	[hbm4b:s11+s2] =	stream.linear.scatter [tilespmem:s24], [sflag:$0x3], $0xC800, $0x38;
	[tilespmem:$0x1F400] =	vst v63  }
0x72: {  	_ =	swait.ge [sflag:s28], $0xC800  }
0x73: {  	[sflag:s28] =	ssyncset.done $0x0  }
0x74: {  	[sflag:s28] =	ssyncadd.s32 $0xFFFF3800  }
0x75: {  	_ =	swait.ge [sflag:s29], $0xC800  }
0x76: {  	[sflag:s29] =	ssyncset.done $0x0  }
0x77: {  	s30 =	simm.s32 $0x3200;
	[sflag:s29] =	ssyncadd.s32 $0xFFFF3800  }
0x78: {  	[tilespmem:s24], [sflag:$0x1] =	stream.indirect.gather [hbm4b:s3+s23], $0x20, s30, s23, $0xb8;
	[tilespmem:$0x1F400] =	vst v63  }
0x79: {  	_ = 	snop  }
0x7a: {  	[hbm4b:s12+s2] =	stream.linear.scatter [tilespmem:s26], [sflag:$0x4], $0xC800, $0x38;
	[tilespmem:$0x1F400] =	vst v63  }
0x7b: {  	_ =	swait.ge [sflag:s25], $0xC800  }
0x7c: {  	[sflag:s25] =	ssyncset.done $0x0  }
0x7d: {  	[sflag:s25] =	ssyncadd.s32 $0xFFFF3800  }
0x7e: {  	_ =	swait.ge [sflag:s31], $0xC800  }
0x7f: {  	[sflag:s31] =	ssyncset.done $0x0  }
0x80: {  	s30 =	simm.s32 $0x3840;
	[sflag:s31] =	ssyncadd.s32 $0xFFFF3800  }
0x81: {  	[tilespmem:s26], [sflag:$0x2] =	stream.indirect.gather [hbm4b:s3+s23], $0x20, s30, s23, $0xb8;
	[tilespmem:$0x1F400] =	vst v63  }
0x82: {  	_ = 	snop  }
0x83: {  	[hbm4b:s13+s2] =	stream.linear.scatter [tilespmem:s24], [sflag:$0x3], $0xC800, $0x38;
	[tilespmem:$0x1F400] =	vst v63  }
0x84: {  	_ =	swait.ge [sflag:s28], $0xC800  }
0x85: {  	[sflag:s28] =	ssyncset.done $0x0  }
0x86: {  	[sflag:s28] =	ssyncadd.s32 $0xFFFF3800  }
0x87: {  	_ =	swait.ge [sflag:s29], $0xC800  }
0x88: {  	[sflag:s29] =	ssyncset.done $0x0  }
0x89: {  	s30 =	simm.s32 $0x3E80;
	[sflag:s29] =	ssyncadd.s32 $0xFFFF3800  }
0x8a: {  	[tilespmem:s24], [sflag:$0x1] =	stream.indirect.gather [hbm4b:s3+s23], $0x20, s30, s23, $0xb8;
	[tilespmem:$0x1F400] =	vst v63  }
0x8b: {  	_ = 	snop  }
0x8c: {  	[hbm4b:s14+s2] =	stream.linear.scatter [tilespmem:s26], [sflag:$0x4], $0xC800, $0x38;
	[tilespmem:$0x1F400] =	vst v63  }
0x8d: {  	_ =	swait.ge [sflag:s25], $0xC800  }
0x8e: {  	[sflag:s25] =	ssyncset.done $0x0  }
0x8f: {  	[sflag:s25] =	ssyncadd.s32 $0xFFFF3800  }
0x90: {  	_ =	swait.ge [sflag:s31], $0xC800  }
0x91: {  	[sflag:s31] =	ssyncset.done $0x0  }
0x92: {  	s30 =	simm.s32 $0x44C0;
	[sflag:s31] =	ssyncadd.s32 $0xFFFF3800  }
0x93: {  	[tilespmem:s26], [sflag:$0x2] =	stream.indirect.gather [hbm4b:s3+s23], $0x20, s30, s23, $0xb8;
	[tilespmem:$0x1F400] =	vst v63  }
0x94: {  	_ = 	snop  }
0x95: {  	[hbm4b:s15+s2] =	stream.linear.scatter [tilespmem:s24], [sflag:$0x3], $0xC800, $0x38;
	[tilespmem:$0x1F400] =	vst v63  }
0x96: {  	_ =	swait.ge [sflag:s28], $0xC800  }
0x97: {  	[sflag:s28] =	ssyncset.done $0x0  }
0x98: {  	[sflag:s28] =	ssyncadd.s32 $0xFFFF3800  }
0x99: {  	_ =	swait.ge [sflag:s29], $0xC800  }
0x9a: {  	[sflag:s29] =	ssyncset.done $0x0  }
0x9b: {  	s30 =	simm.s32 $0x4B00;
	[sflag:s29] =	ssyncadd.s32 $0xFFFF3800  }
0x9c: {  	[tilespmem:s24], [sflag:$0x1] =	stream.indirect.gather [hbm4b:s3+s23], $0x20, s30, s23, $0xb8;
	[tilespmem:$0x1F400] =	vst v63  }
0x9d: {  	_ = 	snop  }
0x9e: {  	[hbm4b:s16+s2] =	stream.linear.scatter [tilespmem:s26], [sflag:$0x4], $0xC800, $0x38;
	[tilespmem:$0x1F400] =	vst v63  }
0x9f: {  	_ =	swait.ge [sflag:s25], $0xC800  }
0xa0: {  	[sflag:s25] =	ssyncset.done $0x0  }
0xa1: {  	[sflag:s25] =	ssyncadd.s32 $0xFFFF3800  }
0xa2: {  	_ =	swait.ge [sflag:s31], $0xC800  }
0xa3: {  	[sflag:s31] =	ssyncset.done $0x0  }
0xa4: {  	s30 =	simm.s32 $0x5140;
	[sflag:s31] =	ssyncadd.s32 $0xFFFF3800  }
0xa5: {  	[tilespmem:s26], [sflag:$0x2] =	stream.indirect.gather [hbm4b:s3+s23], $0x20, s30, s23, $0xb8;
	[tilespmem:$0x1F400] =	vst v63  }
0xa6: {  	_ = 	snop  }
0xa7: {  	[hbm4b:s17+s2] =	stream.linear.scatter [tilespmem:s24], [sflag:$0x3], $0xC800, $0x38;
	[tilespmem:$0x1F400] =	vst v63  }
0xa8: {  	_ =	swait.ge [sflag:s28], $0xC800  }
0xa9: {  	[sflag:s28] =	ssyncset.done $0x0  }
0xaa: {  	[sflag:s28] =	ssyncadd.s32 $0xFFFF3800  }
0xab: {  	_ =	swait.ge [sflag:s29], $0xC800  }
0xac: {  	[sflag:s29] =	ssyncset.done $0x0  }
0xad: {  	s30 =	simm.s32 $0x5780;
	[sflag:s29] =	ssyncadd.s32 $0xFFFF3800  }
0xae: {  	[tilespmem:s24], [sflag:$0x1] =	stream.indirect.gather [hbm4b:s3+s23], $0x20, s30, s23, $0xb8;
	[tilespmem:$0x1F400] =	vst v63  }
0xaf: {  	_ = 	snop  }
0xb0: {  	[hbm4b:s18+s2] =	stream.linear.scatter [tilespmem:s26], [sflag:$0x4], $0xC800, $0x38;
	[tilespmem:$0x1F400] =	vst v63  }
0xb1: {  	_ =	swait.ge [sflag:s25], $0xC800  }
0xb2: {  	[sflag:s25] =	ssyncset.done $0x0  }
0xb3: {  	[sflag:s25] =	ssyncadd.s32 $0xFFFF3800  }
0xb4: {  	_ =	swait.ge [sflag:s31], $0xC800  }
0xb5: {  	[sflag:s31] =	ssyncset.done $0x0  }
0xb6: {  	s30 =	simm.s32 $0x5DC0;
	[sflag:s31] =	ssyncadd.s32 $0xFFFF3800  }
0xb7: {  	[tilespmem:s26], [sflag:$0x2] =	stream.indirect.gather [hbm4b:s3+s23], $0x20, s30, s23, $0xb8;
	[tilespmem:$0x1F400] =	vst v63  }
0xb8: {  	_ = 	snop  }
0xb9: {  	[hbm4b:s19+s2] =	stream.linear.scatter [tilespmem:s24], [sflag:$0x3], $0xC800, $0x38;
	[tilespmem:$0x1F400] =	vst v63  }
0xba: {  	_ =	swait.ge [sflag:s28], $0xC800  }
0xbb: {  	[sflag:s28] =	ssyncset.done $0x0  }
0xbc: {  	s0 =	sadd.s32 $0x1, s0;
	[sflag:s28] =	ssyncadd.s32 $0xFFFF3800  }
0xbd: {  	[hbm4b:s20+s2] =	stream.linear.scatter [tilespmem:s26], [sflag:$0x4], $0xC800, $0x38;
	[tilespmem:$0x1F400] =	vst v63  }
0xbe: {  	p0 =	sne.s32 s0, s21;
	_ =	swait.ge [sflag:s29], $0xC800  }
.Ltmp1:
0xbf: {  	[sflag:s29] =	ssyncset.done $0x0;
	(pc) =	sbr.rel @p0 .LBB2_1-.Ltmp1, $4  }
0xc0: {  	[sflag:s29] =	ssyncadd.s32 $0xFFFF3800  }
0xc1: {  	_ =	swait.ge [sflag:s31], $0xC800  }
0xc2: {  	[sflag:s31] =	ssyncset.done $0x0  }
0xc3: {  	[sflag:s31] =	ssyncadd.s32 $0xFFFF3800  }
0xc4: {  	_ =	sfence.sel $0x180000  }
0xc5: {  	[bflag:$0x0] =	sbarrier.arrive $0xFFFF  }
0xc6: {  	_ =	strace $0x90000047  }
0xc7: {  	s0 =	stileid.u32;
	[bflag:$0x2] =	sbarrier.arrive $0xFFFF  }
0xc8: {  	p0 =	sne.s32 s0, $0x0;
	s0 =	rddreg [dreg:$0x2]  }
0xc9: {  	s0 =	sadd.s32 @!p0 $0x100000, s0  }
0xca: {  	[sflag:s0] =	ssyncadd.tile.s32 @!p0 $0x1;
	_ =	shalt  }
.Lfunc_end2:
_tile_overlayer_lowered:
.L_overlay_start_2:
0xcb: {  	(tag) =	ssettag $0x2  }
0xcc: {  	s0 =	rddreg [dreg:$0x0];
	s2 =	stileid.u32  }
0xcd: {  	s1 =	rddreg [dreg:$0x1];
	p0 =	sne.s32 s2, $0x0  }
0xce: {  	s3 =	rddreg [dreg:$0x2];
	[bflag:$0x3] =	sbarrier.arrive $0xFFFF;
	s2 =	simm.s32 @!p0 $0x1C05  }
0xcf: {  	[timem:s3], [sflag:s2] =	dma.local @!p0 [hbm:s0], s1  }
0xd0: {  	s0 =	simm.s32 @!p0 $0x5  }
0xd1: {  	_ =	swait.ge @!p0 [sflag:s0], s1  }
0xd2: {  	s1 =	ssub.s32 @!p0 $0x0, s1;
	[sflag:s0] =	ssyncset.done @!p0 $0x0  }
0xd3: {  	[sflag:s0] =	ssyncadd.s32 @!p0 s1  }
0xd4: {  	[bflag:$0x3] =	sbarrier.arrive $0xFFFF  }
0xd5: {  	_ =	shalt  }

// kernel: sparse-core-data-format-call.cloned.1.call-start
scs
called_computation_lowered:
.L_overlay_start_0:
0x0: {  	s2 =	sld [smem:$0x3FD9]  }
0x1: {  	s3 =	sld [smem:$0x3FFE];
	_ =	sdelay $0x1  }
0x2: {  	s1 =	srdreg.scid  }
0x3: {  	s0 =	sand.u32 $0x1, s1  }
0x4: {  	s18 =	sshll.u32 s0, $0xA;
	s2 =	sadd.s32 s3, s2  }
0x5: {  	s2 =	sadd.s32 s2, s18  }
0x6: {  	[smem:$0x3FC6] =	sst s2  }
0x7: {  	_ = 	snop  }
0x8: {  	s2 =	sld [smem:$0x3FD0];
	(tm) =	ssettm $0x1  }
0x9: {  	s19 =	sld [smem:$0x3FFB];
	_ =	sdelay $0x3  }
0xa: {  	_ =	strace s19  }
0xb: {  	s3 =	sld [smem:$0x3FFC];
	_ =	sdelay $0x3  }
0xc: {  	_ =	strace s3  }
0xd: {  	s3 =	sld [smem:$0x3FFD];
	_ =	sdelay $0x3  }
0xe: {  	_ =	strace s3  }
0xf: {  	_ =	strace $0x8FFFFFFF  }
0x10: {  	s20 =	sld [smem:$0x3FDB];
	_ =	sdelay $0x1  }
0x11: {  	s4 =	simm.s32 $_scs_section_size  }
0x12: {  	s5 =	simm.s32 $_size__tile_overlayer_lowered;
	s6 =	simm.s32 $_tile_overlayer_lowered  }
0x13: {  	s23 =	simm.s32 $0x1BFF;
	s22 =	sshll.u32 s6, $0x1;
	s3 =	sadd.s32 s4, s20  }
0x14: {  	s7 =	simm.s32 $0x0;
	s21 =	sshll.u32 s5, $0x1;
	s5 =	sadd.s32 s22, s3  }
0x15: {  	[timem:s7], [sflag:s23] =	dma.local [hbm:s5], s21  }
0x16: {  	_ =	swait.ge [sflag:s23], s21  }
0x17: {  	s4 =	ssub.s32 $0x0, s21;
	[sflag:s23] =	ssyncset.done $0x0  }
0x18: {  	[sflag:s23] =	ssyncadd.s32 s4;
	_ =	sdelay $0x1  }
0x19: {  	s24 =	simm.s32 $0x1B8B  }
0x1a: {  	_ =	swait.ge [sflag:s24], $0x1  }
0x1b: {  	[sflag:s24] =	ssyncset.done $0x0  }
0x1c: {  	s26 =	simm.s32 $0x1B8E;
	s25 =	sld [smem:$0x3FFE];
	[sflag:s24] =	ssyncadd.s32 $0xFFFFFFFF  }
0x1d: {  	s27 =	simm.s32 $execute0_lowered;
	[smem:$0x3FD2] =	sst s26  }
0x1e: {  	s5 =	sshll.u32 s27, $0x1;
	_ =	strace $0x80000049;
	[dreg:$0x1] =	wrdreg $0xFFFFFFFF  }
0x1f: {  	s28 =	simm.s32 $_size_execute0_lowered;
	s3 =	sadd.s32 s3, s5;
	[dreg:$0x0] =	wrdreg $0x0  }
0x20: {  	s5 =	sshll.u32 s28, $0x1;
	[dreg:$0x2] =	wrdreg s3  }
0x21: {  	[dreg:$0x3] =	wrdreg s5  }
0x22: {  	[dreg:$0x4] =	wrdreg $0xC0  }
0x23: {  	_ =	task [dreg:s7], $0x5FFFF  }
0x24: {  	[dreg:$0x1] =	wrdreg $0xFFFFFFFF  }
0x25: {  	[dreg:$0x0] =	wrdreg $0x60  }
0x26: {  	[dreg:$0x2] =	wrdreg s25  }
0x27: {  	[dreg:$0x3] =	wrdreg s2  }
0x28: {  	[dreg:$0x4] =	wrdreg $0x9  }
0x29: {  	_ =	task.clear_ibuf [dreg:s7], $0x5FFFF;
	_ =	strace $0x90000049  }
0x2a: {  	s29 =	simm.s32 $0x9;
	_ =	strace $0x8000004B  }
0x2b: {  	_ =	swait.ge [sflag:s29], $0x1  }
0x2c: {  	[sflag:s29] =	ssyncadd.s32 $0xFFFFFFFF  }
0x2d: {  	_ =	strace $0x9000004B  }
0x2e: {  	_ =	sfence  }
0x2f: {  	s30 =	sld [smem:$0x0];
	_ =	sdelay $0x2  }
0x30: {  	s31 =	sshll.u32 s1, $0xD;
	s1 =	sshrl.u32 s1, $0x2  }
0x31: {  	s3 =	sand.u32 $0x4000, s31;
	s1 =	sadd.s32 s1, s30  }
0x32: {  	s0 =	sor.u32 s3, s0;
	s1 =	sshll.u32 s1, $0x11  }
0x33: {  	s0 =	sor.u32 s1, s0  }
0x34: {  	s0 =	sadd.s32 $0x8F2B, s0  }
0x35: {  	[sflag:s0] =	ssyncadd.remote.s32 $0x1  }
0x36: {  	_ =	sfence.sel $0xFFFF  }
0x37: {  	[dreg:$0x0] =	wrdreg $0xFFFFFFFF;
	(pc) =	sbr.abs _section_cstart, $3  }
0x38: {  	[dreg:$0x1] =	wrdreg $0xFFFFFFFF  }
0x39: {  	_ =	task.clear_ibuf [dreg:s7], $0x2FFFF;
	_ =	strace $0x9FFFFFFF  }
0x3a: {  	(tm) =	ssettm $0x7FFFFFFF  }
0x3b: {  	_ =	shalt  }
tec
execute0_lowered:
.L_overlay_start_1:
0x0: {  	(tag) =	ssettag $0x1  }
0x1: {  	s0 =	srdreg.scid  }
0x2: {  	s1 =	sshll.u32 s0, $0x4  }
0x3: {  	s0 =	stileid.u32;
	s1 =	sand.u32 $0x10, s1  }
0x4: {  	s1 =	sor.u32 s0, s1  }
0x5: {  	s6 =	rddreg [dreg:$0x0];
	s4 =	simm.s32 $0x1;
	s2 =	sshll.u32 s1, $0x7  }
0x6: {  	s7 =	simm.s32 $0x2;
	s12 =	simm.s32 $0x0;
	s1 =	ssub.s32 $0x1000, s2  }
0x7: {  	s8 =	simm.s32 $0x8000;
	s13 =	simm.s32 $0x0;
	s3 =	sand.u32 $0xF80, s1  }
0x8: {  	s9 =	simm.s32 $0x0;
	s5 =	sshrl.u32 s1, $0xC;
	p0 =	sne.s32 s3, $0x0  }
.Ltmp0:
0x9: {  	s1 =	rddreg [dreg:$0x2];
	s4 =	simm.s32 @!p0 $0x0;
	(pc) =	sbr.rel .LBB1_1-.Ltmp0, $4  }
0xa: {  	s11 =	simm.s32 $0x0;
	s3 =	rddreg [dreg:$0x1];
	s5 =	sadd.s32 s4, s5  }
0xb: {  	_ =	strace $0x8000004A;
	s4 =	simm.s32 $0x1;
	s5 =	smul.u32 $0xC8, s5  }
0xc: {  	s6 =	sadd.s32 $0x800, s6;
	s10 =	smov.u32 s2;
	[sflag:s4] =	ssyncpa.u1 $0x0  }
0xd: {  	p0 =	por $0x0, $0x0;
	[sflag:s7] =	ssyncpa.u1 $0x0;
	s7 =	sor.u32 $0x1, s5  }
.LBB1_4:
0xe: {  	s16 =	sshll.u32 s13, $0x3;
	s17 =	sand.u32 $0x78, s13  }
0xf: {  	s30 =	sand.u32 $0x3E00, s13;
	s12 =	sshll.u32 s12, $0xE;
	s16 =	sand.u32 $0xC00, s16  }
0x10: {  	s31 =	sand.u32 $0x7, s13;
	s16 =	sor.u32 s17, s16;
	s17 =	sadd.s32 s3, s30  }
0x11: {  	s13 =	sshll.u32 s31, $0x12;
	s16 =	sshrl.u32 s16, $0x3;
	s12 =	sadd.s32 s12, s17  }
0x12: {  	[tilespmem:s15+$0x0 ss:$0x81] =	vst.msk $0xffff, v0;
	s13 =	sor.u32 $0x400, s13;
	s12 =	sadd.s32 s16, s12  }
0x13: {  	[hbm4b:s12+s13] =	stream.strided.scatter [tilespmem:s14], [sflag:$0x2], $0x1000, s8, s13, $0x20;
	[tilespmem:$0x4040] =	vst v63  }
.LBB1_5:
0x14: {  	s14 =	sadd.s32 $0x1, s9  }
0x15: {  	s12 =	sadd.s32 $0x1000, s10;
	s16 =	smov.u32 s10;
	p2 =	sgt.s32 s14, $0xC7  }
0x16: {  	s16 =	smov.u32 @p2 s12  }
0x17: {  	s14 =	simm.s32 @p2 $0x0;
	p2 =	sgt.s32 s16, $0xFFF  }
0x18: {  	s16 =	smov.u32 @p2 s2;
	p2 =	sne.s32 s11, s7  }
.Ltmp1:
0x19: {  	p1 =	slt.u32 s11, $0x2;
	(pc) =	sbr.rel @!p2 .LBB1_6-.Ltmp1, $4  }
0x1a: {  	s15 =	simm.s32 @!p1 $0x2  }
0x1b: {  	s13 =	smov.u32 s10;
	p0 =	por !p0, !p0;
	_ =	swait.ge @!p1 [sflag:s15], $0x1000  }
0x1c: {  	s12 =	smov.u32 s9;
	[sflag:s15] =	ssyncset.done @!p1 $0x0;
	s9 =	smov.u32 s14  }
0x1d: {  	s11 =	sadd.s32 $0x1, s11;
	[sflag:s15] =	ssyncadd.s32 @!p1 $0xFFFFF000;
	s10 =	smov.u32 s16  }
.LBB1_1:
0x1e: {  	p1 =	sge.u32 s11, s5  }
0x1f: {  	s14 =	sand.u32 @!p1 $0x1FFFFFF, s9  }
0x20: {  	s15 =	smulhi.u32 @!p1 $0x147AE15, s14;
	_ =	sdelay $0x1  }
0x21: {  	s15 =	smul.u32 @!p1 $0xC8, s15  }
0x22: {  	s16 =	sxor.u32 @!p1 $0xFFFFFFFF, s11;
	s17 =	smul.u32 @!p1 $0xC80, s10  }
0x23: {  	s31 =	sadd.s32 $0xFFFFFFFF, s11;
	s16 =	sshll.u32 @!p1 s16, $0xC;
	s14 =	ssub.s32 @!p1 s14, s15  }
0x24: {  	s15 =	sand.u32 @!p1 $0x1000, s16;
	s16 =	sadd.s32 @!p1 s6, s17;
	s14 =	sshll.u32 @!p1 s14, $0x4  }
0x25: {  	s17 =	simm.s32 @!p1 $0x6400;
	s14 =	sadd.s32 @!p1 s14, s16;
	s16 =	simm.s32 @!p1 $0x20  }
0x26: {  	[tilespmem:s15], [sflag:$0x1] =	stream.strided.gather @!p1 [hbm4b:s14+s16], $0x1000, s17, s16, $0x38;
	[tilespmem:$0x4040] =	vst v63  }
0x27: {  	p1 =	sge.u32 s31, s5  }
.Ltmp2:
0x28: {  	_ = 	snop;
	(pc) =	sbr.rel @p1 .LBB1_5-.Ltmp2, $1  }
0x29: {  	_ =	sdelay $0x3  }
0x2a: {  	s14 =	simm.s32 $0x1  }
0x2b: {  	_ =	swait.ge [sflag:s4], $0x1000;
	s14 =	simm.s32 @!p0 $0x0  }
0x2c: {  	[sflag:s4] =	ssyncset.done $0x0;
	s15 =	sshll.u32 s14, $0xC  }
0x2d: {  	[sflag:s4] =	ssyncadd.s32 $0xFFFFF000;
	s18 =	sor.u32 $0x10, s15  }
0x2e: {  	s14 =	smul.u32 $0x4080, s14;
	v1 =	vld [tilespmem:s18+$0x0]  }
0x2f: {  	s30 =	sand.u32 $0x1, s11;
	v0 =	vld [tilespmem:s18+$0xFFFFFFF0]  }
0x30: {  	s15 =	smul.u32 $0x4080, s30;
	s14 =	sshrl.u32 s14, $0x2  }
0x31: {  	s16 =	sor.u32 $0x2000, s14  }
0x32: {  	s31 =	sshrl.u32 s15, $0x2;
	s15 =	sadd.s32 $0x0, s16  }
0x33: {  	s17 =	simm.s32 $0x4;
	s18 =	sadd.s32 $0x20, s18;
	s14 =	sor.u32 $0x2000, s31;
	[tilespmem:s15+$0x810 ss:$0x81] =	vst.msk $0xffff, v1  }
.LBB1_3:
0x34: {  	v1 =	vld [tilespmem:s18+$0x0];
	p1 =	sne.s32 s17, $0x1FC;
	[tilespmem:s15+$0x0 ss:$0x81] =	vst.msk $0xffff, v0;
	s15 =	smov.u32 s17;
	s17 =	sadd.s32 $0x4, s17  }
.Ltmp3:
0x35: {  	v0 =	vld [tilespmem:s18+$0xFFFFFFF0];
	(pc) =	sbr.rel @p1 .LBB1_3-.Ltmp3, $4  }
0x36: {  	_ = 	snop  }
0x37: {  	s15 =	sshra.s32 s15, $0x2  }
0x38: {  	s15 =	sadd.s32 s15, s16  }
0x39: {  	s18 =	sadd.s32 $0x20, s18;
	[tilespmem:s15+$0x810 ss:$0x81] =	vst.msk $0xffff, v1  }
.Ltmp4:
0x3a: {  	_ = 	snop;
	(pc) =	sbr.rel .LBB1_4-.Ltmp4, $1  }
0x3b: {  	_ =	sdelay $0x3  }
.LBB1_6:
0x3c: {  	_ =	sfence.sel $0x180000  }
0x3d: {  	s2 =	simm.s32 $0x1;
	[bflag:$0x0] =	sbarrier.arrive $0xFFFF  }
0x3e: {  	s31 =	simm.s32 $0x2;
	[sflag:s2] =	ssyncpa.u1 $0x1  }
0x3f: {  	[sflag:s31] =	ssyncpa.u1 $0x1  }
0x40: {  	p0 =	sne.s32 s0, $0x0;
	_ =	strace $0x9000004A  }
0x41: {  	s0 =	sadd.s32 @!p0 $0x100000, s1;
	[bflag:$0x2] =	sbarrier.arrive $0xFFFF  }
0x42: {  	[sflag:s0] =	ssyncadd.tile.s32 @!p0 $0x1;
	_ =	shalt  }
.Lfunc_end1:
_tile_overlayer_lowered:
.L_overlay_start_2:
0x43: {  	(tag) =	ssettag $0x2  }
0x44: {  	s0 =	rddreg [dreg:$0x0];
	s2 =	stileid.u32  }
0x45: {  	s1 =	rddreg [dreg:$0x1];
	p0 =	sne.s32 s2, $0x0  }
0x46: {  	s3 =	rddreg [dreg:$0x2];
	[bflag:$0x3] =	sbarrier.arrive $0xFFFF;
	s2 =	simm.s32 @!p0 $0x1C01  }
0x47: {  	[timem:s3], [sflag:s2] =	dma.local @!p0 [hbm:s0], s1  }
0x48: {  	s0 =	simm.s32 @!p0 $0x1  }
0x49: {  	_ =	swait.ge @!p0 [sflag:s0], s1  }
0x4a: {  	s1 =	ssub.s32 @!p0 $0x0, s1;
	[sflag:s0] =	ssyncset.done @!p0 $0x0  }
0x4b: {  	[sflag:s0] =	ssyncadd.s32 @!p0 s1  }
0x4c: {  	[bflag:$0x3] =	sbarrier.arrive $0xFFFF  }
0x4d: {  	_ =	shalt  }

</sc_bundles>
